<compile_context>
chip_gen: v7x
topology: tpu7x:2x2x1
jax: 0.10.2.dev20260603
libtpu: 0.0.44.dev20260713+nightly
codegen_flags: <defaults>
</compile_context>

<pallas_src>
import functools

import jax
import jax.numpy as jnp
from jax import lax
from jax.experimental import pallas as pl
from jax.experimental.pallas import tpu as pltpu
from jax.experimental.pallas import tpu_sc as plsc

D = 8192
B_TOT = 16 * 512
NW = 32
RPW = B_TOT // NW
CH = 4
NCH = RPW // CH


def _gather_body(table_hbm, idx_hbm, out_hbm, idx_v, buf0, buf1, buf2,
                 g0, g1, g2, s0, s1, s2):
    wid = lax.axis_index("s") * 2 + lax.axis_index("c")
    base = wid * RPW
    pltpu.sync_copy(idx_hbm.at[pl.ds(wid * NCH, NCH)], idx_v)

    bufs = (buf0, buf1, buf2)
    gs = (g0, g1, g2)
    ss = (s0, s1, s2)

    def g_copy(c, s):
        return pltpu.make_async_copy(
            table_hbm.at[idx_v.at[c]], bufs[s], gs[s])

    def w_copy(c, s):
        return pltpu.make_async_copy(
            bufs[s], out_hbm.at[pl.ds(base + c * CH, CH)], ss[s])

    g_copy(0, 0).start()
    g_copy(1, 1).start()
    g_copy(2, 2).start()
    g_copy(0, 0).wait()
    w_copy(0, 0).start()

    def group(g, carry):
        for b in range(3):
            i = 3 * g_off + 3 * g + b
            w_copy(i - 3, b).wait()
            g_copy(i, b).start()
            g_copy(i - 2, (b + 1) % 3).wait()
            w_copy(i - 2, (b + 1) % 3).start()
        return carry

    g_off = 1
    NGRP = (NCH - 3 - 1) // 3
    lax.fori_loop(0, NGRP, group, 0)

    for i in range(3 + 3 * NGRP, NCH):
        b = i % 3
        w_copy(i - 3, b).wait()
        g_copy(i, b).start()
        g_copy(i - 2, (i - 2) % 3).wait()
        w_copy(i - 2, (i - 2) % 3).start()

    for c in (NCH - 2, NCH - 1):
        g_copy(c, c % 3).wait()
        w_copy(c, c % 3).start()
    for c in (NCH - 3, NCH - 2, NCH - 1):
        w_copy(c, c % 3).wait()


@jax.jit
def _gather(table, idx_flat):
    mesh = plsc.VectorSubcoreMesh(core_axis_name="c", subcore_axis_name="s")
    k = functools.partial(
        pl.kernel,
        out_type=jax.ShapeDtypeStruct((B_TOT, D), jnp.float32),
        mesh=mesh,
        scratch_types=[
            pltpu.VMEM((NCH, CH), jnp.int32),
            pltpu.VMEM((CH, D), jnp.float32),
            pltpu.VMEM((CH, D), jnp.float32),
            pltpu.VMEM((CH, D), jnp.float32),
            pltpu.SemaphoreType.DMA,
            pltpu.SemaphoreType.DMA,
            pltpu.SemaphoreType.DMA,
            pltpu.SemaphoreType.DMA,
            pltpu.SemaphoreType.DMA,
            pltpu.SemaphoreType.DMA,
        ],
    )(_gather_body)
    return k(table, idx_flat)


def kernel(idx, targets, table):
    del targets
    idx2d = idx.reshape(B_TOT // CH, CH).astype(jnp.int32)
    out = _gather(table, idx2d)
    return out.reshape(idx.shape[0], idx.shape[1], D)

# --- scband reference (transcript-rebuilt; emitter-appended) ---
"""Pipeline reference for scband-bigram-model-23553600651406 (READ-ONLY COPY).

The authoritative reference and input builder live on the scoring server;
editing this copy changes nothing except your own understanding.
"""

import jax, jax.numpy as jnp
import numpy as np

VOCAB = 8192
B, T = 16, 512

def setup_inputs(seed: int = 0) -> dict:
    key = jax.random.key(seed)
    k1, k2, k3 = jax.random.split(key, 3)
    idx = jax.random.randint(k1, (B, T), 0, VOCAB, dtype=jnp.int64 if jax.config.jax_enable_x64 else jnp.int32)
    targets = jax.random.randint(k2, (B, T), 0, VOCAB, dtype=jnp.int64 if jax.config.jax_enable_x64 else jnp.int32)
    table = jax.random.normal(k3, (VOCAB, VOCAB), dtype=jnp.float32) * 0.02
    return {"idx": idx, "targets": targets, "table": table}

def reference(idx, targets, table):
    # BigramModel.forward: logits = token_embedding_table(idx)
    # targets is accepted but unused in the forward pass.
    logits = jnp.take(table, idx, axis=0)  # (B, T, vocab)
    return logits

if __name__ == "__main__":
    import jax
    _d = setup_inputs()
    print(jax.jit(kernel)(*tuple(_d.values())))

</pallas_src>

<mosaic_0001>
#map = affine_map<(d0, d1) -> (0, 0)>
module attributes {stable_mosaic.version = 14 : i64} {
  func.func @_gather_body(%arg0: i32, %arg1: i32, %arg2: memref<8192x8192xf32, #tpu.memory_space<hbm>>, %arg3: memref<2048x4xi32, #tpu.memory_space<hbm>>, %arg4: memref<8192x8192xf32, #tpu.memory_space<hbm>>, %arg5: memref<64x4xi32, #tpu.memory_space<vmem>>, %arg6: memref<4x8192xf32, #tpu.memory_space<vmem>>, %arg7: memref<4x8192xf32, #tpu.memory_space<vmem>>, %arg8: memref<4x8192xf32, #tpu.memory_space<vmem>>, %arg9: memref<!tpu.dma_semaphore, #tpu.memory_space<semaphore_mem>>, %arg10: memref<!tpu.dma_semaphore, #tpu.memory_space<semaphore_mem>>, %arg11: memref<!tpu.dma_semaphore, #tpu.memory_space<semaphore_mem>>, %arg12: memref<!tpu.dma_semaphore, #tpu.memory_space<semaphore_mem>>, %arg13: memref<!tpu.dma_semaphore, #tpu.memory_space<semaphore_mem>>, %arg14: memref<!tpu.dma_semaphore, #tpu.memory_space<semaphore_mem>>) attributes {dimension_semantics = [#tpu.dimension_semantics<core_parallel>, #tpu.dimension_semantics<subcore_parallel>], iteration_bounds = array<i64: 2, 16>, scalar_prefetch = 0 : i64, scratch_operands = 10 : i64, tpu.core_type = #tpu.core_type<sc_vector_subcore>, window_params = [{transform_indices = #map}, {transform_indices = #map}, {transform_indices = #map}]} {
    %mul3A = arith.constant 2 : i32
    %mul3A_0 = arith.muli %arg1, %mul3A : i32
    %add3A = arith.addi %mul3A_0, %arg0 : i32
    %mul3A_1 = arith.constant 256 : i32
    %mul3A_2 = arith.muli %add3A, %mul3A_1 : i32
    %mul3A_3 = arith.constant 64 : i32
    %mul3A_4 = arith.muli %add3A, %mul3A_3 : i32
    "tpu.region"() ({
      %run_scoped3A = tpu.sem_alloc : memref<!tpu.dma_semaphore, #tpu.memory_space<semaphore_mem>>
      %dma_start3A_112 = arith.constant 0 : i32
      %dma_start3A_113 = tpu.memref_slice %arg3[%mul3A_4, %dma_start3A_112] : memref<2048x4xi32, #tpu.memory_space<hbm>> -> memref<64x4xi32, #tpu.memory_space<hbm>>
      %dma_start3A_114 = arith.constant 0 : i32
      %dma_start3A_115 = tpu.memref_slice %arg3[%mul3A_4, %dma_start3A_114] : memref<2048x4xi32, #tpu.memory_space<hbm>> -> memref<64x4xi32, #tpu.memory_space<hbm>>
      tpu.enqueue_dma source(%dma_start3A_115 : memref<64x4xi32, #tpu.memory_space<hbm>>) target(%arg5 : memref<64x4xi32, #tpu.memory_space<vmem>>) target_semaphore(%run_scoped3A : memref<!tpu.dma_semaphore, #tpu.memory_space<semaphore_mem>>)
      %dma_wait3A_116 = arith.constant 0 : i32
      %dma_wait3A_117 = tpu.memref_slice %arg3[%mul3A_4, %dma_wait3A_116] : memref<2048x4xi32, #tpu.memory_space<hbm>> -> memref<64x4xi32, #tpu.memory_space<hbm>>
      %dma_wait3A_118 = arith.constant 0 : i32
      %dma_wait3A_119 = tpu.memref_slice %arg3[%mul3A_4, %dma_wait3A_118] : memref<2048x4xi32, #tpu.memory_space<hbm>> -> memref<64x4xi32, #tpu.memory_space<hbm>>
      tpu.wait_dma2 semaphore(%run_scoped3A : memref<!tpu.dma_semaphore, #tpu.memory_space<semaphore_mem>>) src(%dma_wait3A_119 : memref<64x4xi32, #tpu.memory_space<hbm>>) dst(%arg5 : memref<64x4xi32, #tpu.memory_space<vmem>>)
      tpu.yield
    }) : () -> ()
    %dma_start3A = arith.constant 0 : i32
    %dma_start3A_5 = arith.constant 0 : i32
    %dma_start3A_6 = tpu.memref_slice %arg5[%dma_start3A, %dma_start3A_5] : memref<64x4xi32, #tpu.memory_space<vmem>> -> memref<1x4xi32, #tpu.memory_space<vmem>>
    %dma_start3A_7 = tpu.memref_squeeze %dma_start3A_6 : memref<1x4xi32, #tpu.memory_space<vmem>> -> memref<4xi32, #tpu.memory_space<vmem>>
    %dma_start3A_8 = arith.constant 0 : i32
    %dma_start3A_9 = arith.constant 0 : i32
    %dma_start3A_10 = tpu.memref_slice %arg2[%dma_start3A_8, %dma_start3A_9] : memref<8192x8192xf32, #tpu.memory_space<hbm>> -> memref<8192x8192xf32, #tpu.memory_space<hbm>>
    tpu.enqueue_indirect_dma source(%dma_start3A_10 : memref<8192x8192xf32, #tpu.memory_space<hbm>>) target(%arg6 : memref<4x8192xf32, #tpu.memory_space<vmem>>) offsets(%dma_start3A_7 : memref<4xi32, #tpu.memory_space<vmem>>) semaphore(%arg9 : memref<!tpu.dma_semaphore, #tpu.memory_space<semaphore_mem>>)
    %dma_start3A_11 = arith.constant 1 : i32
    %dma_start3A_12 = arith.constant 0 : i32
    %dma_start3A_13 = tpu.memref_slice %arg5[%dma_start3A_11, %dma_start3A_12] : memref<64x4xi32, #tpu.memory_space<vmem>> -> memref<1x4xi32, #tpu.memory_space<vmem>>
    %dma_start3A_14 = tpu.memref_squeeze %dma_start3A_13 : memref<1x4xi32, #tpu.memory_space<vmem>> -> memref<4xi32, #tpu.memory_space<vmem>>
    %dma_start3A_15 = arith.constant 0 : i32
    %dma_start3A_16 = arith.constant 0 : i32
    %dma_start3A_17 = tpu.memref_slice %arg2[%dma_start3A_15, %dma_start3A_16] : memref<8192x8192xf32, #tpu.memory_space<hbm>> -> memref<8192x8192xf32, #tpu.memory_space<hbm>>
    tpu.enqueue_indirect_dma source(%dma_start3A_17 : memref<8192x8192xf32, #tpu.memory_space<hbm>>) target(%arg7 : memref<4x8192xf32, #tpu.memory_space<vmem>>) offsets(%dma_start3A_14 : memref<4xi32, #tpu.memory_space<vmem>>) semaphore(%arg10 : memref<!tpu.dma_semaphore, #tpu.memory_space<semaphore_mem>>)
    %dma_start3A_18 = arith.constant 2 : i32
    %dma_start3A_19 = arith.constant 0 : i32
    %dma_start3A_20 = tpu.memref_slice %arg5[%dma_start3A_18, %dma_start3A_19] : memref<64x4xi32, #tpu.memory_space<vmem>> -> memref<1x4xi32, #tpu.memory_space<vmem>>
    %dma_start3A_21 = tpu.memref_squeeze %dma_start3A_20 : memref<1x4xi32, #tpu.memory_space<vmem>> -> memref<4xi32, #tpu.memory_space<vmem>>
    %dma_start3A_22 = arith.constant 0 : i32
    %dma_start3A_23 = arith.constant 0 : i32
    %dma_start3A_24 = tpu.memref_slice %arg2[%dma_start3A_22, %dma_start3A_23] : memref<8192x8192xf32, #tpu.memory_space<hbm>> -> memref<8192x8192xf32, #tpu.memory_space<hbm>>
    tpu.enqueue_indirect_dma source(%dma_start3A_24 : memref<8192x8192xf32, #tpu.memory_space<hbm>>) target(%arg8 : memref<4x8192xf32, #tpu.memory_space<vmem>>) offsets(%dma_start3A_21 : memref<4xi32, #tpu.memory_space<vmem>>) semaphore(%arg11 : memref<!tpu.dma_semaphore, #tpu.memory_space<semaphore_mem>>)
    %dma_wait3A = arith.constant 0 : i32
    %dma_wait3A_25 = arith.constant 0 : i32
    %dma_wait3A_26 = tpu.memref_slice %arg5[%dma_wait3A, %dma_wait3A_25] : memref<64x4xi32, #tpu.memory_space<vmem>> -> memref<1x4xi32, #tpu.memory_space<vmem>>
    %dma_wait3A_27 = tpu.memref_squeeze %dma_wait3A_26 : memref<1x4xi32, #tpu.memory_space<vmem>> -> memref<4xi32, #tpu.memory_space<vmem>>
    %dma_wait3A_28 = arith.constant 0 : i32
    %dma_wait3A_29 = arith.constant 0 : i32
    %dma_wait3A_30 = tpu.memref_slice %arg2[%dma_wait3A_28, %dma_wait3A_29] : memref<8192x8192xf32, #tpu.memory_space<hbm>> -> memref<8192x8192xf32, #tpu.memory_space<hbm>>
    tpu.wait_indirect_dma semaphore(%arg9 : memref<!tpu.dma_semaphore, #tpu.memory_space<semaphore_mem>>) src(%dma_wait3A_30 : memref<8192x8192xf32, #tpu.memory_space<hbm>>) dst(%arg6 : memref<4x8192xf32, #tpu.memory_space<vmem>>)
    %add3A_31 = arith.constant 0 : i32
    %add3A_32 = arith.addi %mul3A_2, %add3A_31 : i32
    %dma_start3A_33 = arith.constant 0 : i32
    %dma_start3A_34 = tpu.memref_slice %arg4[%add3A_32, %dma_start3A_33] : memref<8192x8192xf32, #tpu.memory_space<hbm>> -> memref<4x8192xf32, #tpu.memory_space<hbm>>
    %dma_start3A_35 = arith.constant 0 : i32
    %dma_start3A_36 = tpu.memref_slice %arg4[%add3A_32, %dma_start3A_35] : memref<8192x8192xf32, #tpu.memory_space<hbm>> -> memref<4x8192xf32, #tpu.memory_space<hbm>>
    tpu.enqueue_dma source(%arg6 : memref<4x8192xf32, #tpu.memory_space<vmem>>) target(%dma_start3A_36 : memref<4x8192xf32, #tpu.memory_space<hbm>>) target_semaphore(%arg12 : memref<!tpu.dma_semaphore, #tpu.memory_space<semaphore_mem>>)
    %scan3A = arith.constant 0 : i32
    %scan3A_37 = arith.constant 0 : i32
    %scan3A_38 = arith.constant 20 : i32
    %scan3A_39 = arith.addi %scan3A_37, %scan3A_38 : i32
    %scan3A_40 = arith.constant 1 : i32
    scf.for %scan3A_112 = %scan3A_37 to %scan3A_39 step %scan3A_40  : i32 {
      %mul3A_113 = arith.constant 3 : i32
      %mul3A_114 = arith.muli %mul3A_113, %scan3A_112 : i32
      %add3A_115 = arith.constant 3 : i32
      %add3A_116 = arith.addi %add3A_115, %mul3A_114 : i32
      %add3A_117 = arith.constant 0 : i32
      %add3A_118 = arith.addi %add3A_116, %add3A_117 : i32
      %sub3A = arith.constant 3 : i32
      %sub3A_119 = arith.subi %add3A_118, %sub3A : i32
      %mul3A_120 = arith.constant 4 : i32
      %mul3A_121 = arith.muli %sub3A_119, %mul3A_120 : i32
      %add3A_122 = arith.addi %mul3A_2, %mul3A_121 : i32
      %dma_wait3A_123 = arith.constant 0 : i32
      %dma_wait3A_124 = tpu.memref_slice %arg4[%add3A_122, %dma_wait3A_123] : memref<8192x8192xf32, #tpu.memory_space<hbm>> -> memref<4x8192xf32, #tpu.memory_space<hbm>>
      %dma_wait3A_125 = arith.constant 0 : i32
      %dma_wait3A_126 = tpu.memref_slice %arg4[%add3A_122, %dma_wait3A_125] : memref<8192x8192xf32, #tpu.memory_space<hbm>> -> memref<4x8192xf32, #tpu.memory_space<hbm>>
      tpu.wait_dma2 semaphore(%arg12 : memref<!tpu.dma_semaphore, #tpu.memory_space<semaphore_mem>>) src(%arg6 : memref<4x8192xf32, #tpu.memory_space<vmem>>) dst(%dma_wait3A_126 : memref<4x8192xf32, #tpu.memory_space<hbm>>)
      %dma_start3A_127 = arith.constant 0 : i32
      %dma_start3A_128 = tpu.memref_slice %arg5[%add3A_118, %dma_start3A_127] : memref<64x4xi32, #tpu.memory_space<vmem>> -> memref<1x4xi32, #tpu.memory_space<vmem>>
      %dma_start3A_129 = tpu.memref_squeeze %dma_start3A_128 : memref<1x4xi32, #tpu.memory_space<vmem>> -> memref<4xi32, #tpu.memory_space<vmem>>
      %dma_start3A_130 = arith.constant 0 : i32
      %dma_start3A_131 = arith.constant 0 : i32
      %dma_start3A_132 = tpu.memref_slice %arg2[%dma_start3A_130, %dma_start3A_131] : memref<8192x8192xf32, #tpu.memory_space<hbm>> -> memref<8192x8192xf32, #tpu.memory_space<hbm>>
      tpu.enqueue_indirect_dma source(%dma_start3A_132 : memref<8192x8192xf32, #tpu.memory_space<hbm>>) target(%arg6 : memref<4x8192xf32, #tpu.memory_space<vmem>>) offsets(%dma_start3A_129 : memref<4xi32, #tpu.memory_space<vmem>>) semaphore(%arg9 : memref<!tpu.dma_semaphore, #tpu.memory_space<semaphore_mem>>)
      %sub3A_133 = arith.constant 2 : i32
      %sub3A_134 = arith.subi %add3A_118, %sub3A_133 : i32
      %dma_wait3A_135 = arith.constant 0 : i32
      %dma_wait3A_136 = tpu.memref_slice %arg5[%sub3A_134, %dma_wait3A_135] : memref<64x4xi32, #tpu.memory_space<vmem>> -> memref<1x4xi32, #tpu.memory_space<vmem>>
      %dma_wait3A_137 = tpu.memref_squeeze %dma_wait3A_136 : memref<1x4xi32, #tpu.memory_space<vmem>> -> memref<4xi32, #tpu.memory_space<vmem>>
      %dma_wait3A_138 = arith.constant 0 : i32
      %dma_wait3A_139 = arith.constant 0 : i32
      %dma_wait3A_140 = tpu.memref_slice %arg2[%dma_wait3A_138, %dma_wait3A_139] : memref<8192x8192xf32, #tpu.memory_space<hbm>> -> memref<8192x8192xf32, #tpu.memory_space<hbm>>
      tpu.wait_indirect_dma semaphore(%arg10 : memref<!tpu.dma_semaphore, #tpu.memory_space<semaphore_mem>>) src(%dma_wait3A_140 : memref<8192x8192xf32, #tpu.memory_space<hbm>>) dst(%arg7 : memref<4x8192xf32, #tpu.memory_space<vmem>>)
      %sub3A_141 = arith.constant 2 : i32
      %sub3A_142 = arith.subi %add3A_118, %sub3A_141 : i32
      %mul3A_143 = arith.constant 4 : i32
      %mul3A_144 = arith.muli %sub3A_142, %mul3A_143 : i32
      %add3A_145 = arith.addi %mul3A_2, %mul3A_144 : i32
      %dma_start3A_146 = arith.constant 0 : i32
      %dma_start3A_147 = tpu.memref_slice %arg4[%add3A_145, %dma_start3A_146] : memref<8192x8192xf32, #tpu.memory_space<hbm>> -> memref<4x8192xf32, #tpu.memory_space<hbm>>
      %dma_start3A_148 = arith.constant 0 : i32
      %dma_start3A_149 = tpu.memref_slice %arg4[%add3A_145, %dma_start3A_148] : memref<8192x8192xf32, #tpu.memory_space<hbm>> -> memref<4x8192xf32, #tpu.memory_space<hbm>>
      tpu.enqueue_dma source(%arg7 : memref<4x8192xf32, #tpu.memory_space<vmem>>) target(%dma_start3A_149 : memref<4x8192xf32, #tpu.memory_space<hbm>>) target_semaphore(%arg13 : memref<!tpu.dma_semaphore, #tpu.memory_space<semaphore_mem>>)
      %mul3A_150 = arith.constant 3 : i32
      %mul3A_151 = arith.muli %mul3A_150, %scan3A_112 : i32
      %add3A_152 = arith.constant 3 : i32
      %add3A_153 = arith.addi %add3A_152, %mul3A_151 : i32
      %add3A_154 = arith.constant 1 : i32
      %add3A_155 = arith.addi %add3A_153, %add3A_154 : i32
      %sub3A_156 = arith.constant 3 : i32
      %sub3A_157 = arith.subi %add3A_155, %sub3A_156 : i32
      %mul3A_158 = arith.constant 4 : i32
      %mul3A_159 = arith.muli %sub3A_157, %mul3A_158 : i32
      %add3A_160 = arith.addi %mul3A_2, %mul3A_159 : i32
      %dma_wait3A_161 = arith.constant 0 : i32
      %dma_wait3A_162 = tpu.memref_slice %arg4[%add3A_160, %dma_wait3A_161] : memref<8192x8192xf32, #tpu.memory_space<hbm>> -> memref<4x8192xf32, #tpu.memory_space<hbm>>
      %dma_wait3A_163 = arith.constant 0 : i32
      %dma_wait3A_164 = tpu.memref_slice %arg4[%add3A_160, %dma_wait3A_163] : memref<8192x8192xf32, #tpu.memory_space<hbm>> -> memref<4x8192xf32, #tpu.memory_space<hbm>>
      tpu.wait_dma2 semaphore(%arg13 : memref<!tpu.dma_semaphore, #tpu.memory_space<semaphore_mem>>) src(%arg7 : memref<4x8192xf32, #tpu.memory_space<vmem>>) dst(%dma_wait3A_164 : memref<4x8192xf32, #tpu.memory_space<hbm>>)
      %dma_start3A_165 = arith.constant 0 : i32
      %dma_start3A_166 = tpu.memref_slice %arg5[%add3A_155, %dma_start3A_165] : memref<64x4xi32, #tpu.memory_space<vmem>> -> memref<1x4xi32, #tpu.memory_space<vmem>>
      %dma_start3A_167 = tpu.memref_squeeze %dma_start3A_166 : memref<1x4xi32, #tpu.memory_space<vmem>> -> memref<4xi32, #tpu.memory_space<vmem>>
      %dma_start3A_168 = arith.constant 0 : i32
      %dma_start3A_169 = arith.constant 0 : i32
      %dma_start3A_170 = tpu.memref_slice %arg2[%dma_start3A_168, %dma_start3A_169] : memref<8192x8192xf32, #tpu.memory_space<hbm>> -> memref<8192x8192xf32, #tpu.memory_space<hbm>>
      tpu.enqueue_indirect_dma source(%dma_start3A_170 : memref<8192x8192xf32, #tpu.memory_space<hbm>>) target(%arg7 : memref<4x8192xf32, #tpu.memory_space<vmem>>) offsets(%dma_start3A_167 : memref<4xi32, #tpu.memory_space<vmem>>) semaphore(%arg10 : memref<!tpu.dma_semaphore, #tpu.memory_space<semaphore_mem>>)
      %sub3A_171 = arith.constant 2 : i32
      %sub3A_172 = arith.subi %add3A_155, %sub3A_171 : i32
      %dma_wait3A_173 = arith.constant 0 : i32
      %dma_wait3A_174 = tpu.memref_slice %arg5[%sub3A_172, %dma_wait3A_173] : memref<64x4xi32, #tpu.memory_space<vmem>> -> memref<1x4xi32, #tpu.memory_space<vmem>>
      %dma_wait3A_175 = tpu.memref_squeeze %dma_wait3A_174 : memref<1x4xi32, #tpu.memory_space<vmem>> -> memref<4xi32, #tpu.memory_space<vmem>>
      %dma_wait3A_176 = arith.constant 0 : i32
      %dma_wait3A_177 = arith.constant 0 : i32
      %dma_wait3A_178 = tpu.memref_slice %arg2[%dma_wait3A_176, %dma_wait3A_177] : memref<8192x8192xf32, #tpu.memory_space<hbm>> -> memref<8192x8192xf32, #tpu.memory_space<hbm>>
      tpu.wait_indirect_dma semaphore(%arg11 : memref<!tpu.dma_semaphore, #tpu.memory_space<semaphore_mem>>) src(%dma_wait3A_178 : memref<8192x8192xf32, #tpu.memory_space<hbm>>) dst(%arg8 : memref<4x8192xf32, #tpu.memory_space<vmem>>)
      %sub3A_179 = arith.constant 2 : i32
      %sub3A_180 = arith.subi %add3A_155, %sub3A_179 : i32
      %mul3A_181 = arith.constant 4 : i32
      %mul3A_182 = arith.muli %sub3A_180, %mul3A_181 : i32
      %add3A_183 = arith.addi %mul3A_2, %mul3A_182 : i32
      %dma_start3A_184 = arith.constant 0 : i32
      %dma_start3A_185 = tpu.memref_slice %arg4[%add3A_183, %dma_start3A_184] : memref<8192x8192xf32, #tpu.memory_space<hbm>> -> memref<4x8192xf32, #tpu.memory_space<hbm>>
      %dma_start3A_186 = arith.constant 0 : i32
      %dma_start3A_187 = tpu.memref_slice %arg4[%add3A_183, %dma_start3A_186] : memref<8192x8192xf32, #tpu.memory_space<hbm>> -> memref<4x8192xf32, #tpu.memory_space<hbm>>
      tpu.enqueue_dma source(%arg8 : memref<4x8192xf32, #tpu.memory_space<vmem>>) target(%dma_start3A_187 : memref<4x8192xf32, #tpu.memory_space<hbm>>) target_semaphore(%arg14 : memref<!tpu.dma_semaphore, #tpu.memory_space<semaphore_mem>>)
      %mul3A_188 = arith.constant 3 : i32
      %mul3A_189 = arith.muli %mul3A_188, %scan3A_112 : i32
      %add3A_190 = arith.constant 3 : i32
      %add3A_191 = arith.addi %add3A_190, %mul3A_189 : i32
      %add3A_192 = arith.constant 2 : i32
      %add3A_193 = arith.addi %add3A_191, %add3A_192 : i32
      %sub3A_194 = arith.constant 3 : i32
      %sub3A_195 = arith.subi %add3A_193, %sub3A_194 : i32
      %mul3A_196 = arith.constant 4 : i32
      %mul3A_197 = arith.muli %sub3A_195, %mul3A_196 : i32
      %add3A_198 = arith.addi %mul3A_2, %mul3A_197 : i32
      %dma_wait3A_199 = arith.constant 0 : i32
      %dma_wait3A_200 = tpu.memref_slice %arg4[%add3A_198, %dma_wait3A_199] : memref<8192x8192xf32, #tpu.memory_space<hbm>> -> memref<4x8192xf32, #tpu.memory_space<hbm>>
      %dma_wait3A_201 = arith.constant 0 : i32
      %dma_wait3A_202 = tpu.memref_slice %arg4[%add3A_198, %dma_wait3A_201] : memref<8192x8192xf32, #tpu.memory_space<hbm>> -> memref<4x8192xf32, #tpu.memory_space<hbm>>
      tpu.wait_dma2 semaphore(%arg14 : memref<!tpu.dma_semaphore, #tpu.memory_space<semaphore_mem>>) src(%arg8 : memref<4x8192xf32, #tpu.memory_space<vmem>>) dst(%dma_wait3A_202 : memref<4x8192xf32, #tpu.memory_space<hbm>>)
      %dma_start3A_203 = arith.constant 0 : i32
      %dma_start3A_204 = tpu.memref_slice %arg5[%add3A_193, %dma_start3A_203] : memref<64x4xi32, #tpu.memory_space<vmem>> -> memref<1x4xi32, #tpu.memory_space<vmem>>
      %dma_start3A_205 = tpu.memref_squeeze %dma_start3A_204 : memref<1x4xi32, #tpu.memory_space<vmem>> -> memref<4xi32, #tpu.memory_space<vmem>>
      %dma_start3A_206 = arith.constant 0 : i32
      %dma_start3A_207 = arith.constant 0 : i32
      %dma_start3A_208 = tpu.memref_slice %arg2[%dma_start3A_206, %dma_start3A_207] : memref<8192x8192xf32, #tpu.memory_space<hbm>> -> memref<8192x8192xf32, #tpu.memory_space<hbm>>
      tpu.enqueue_indirect_dma source(%dma_start3A_208 : memref<8192x8192xf32, #tpu.memory_space<hbm>>) target(%arg8 : memref<4x8192xf32, #tpu.memory_space<vmem>>) offsets(%dma_start3A_205 : memref<4xi32, #tpu.memory_space<vmem>>) semaphore(%arg11 : memref<!tpu.dma_semaphore, #tpu.memory_space<semaphore_mem>>)
      %sub3A_209 = arith.constant 2 : i32
      %sub3A_210 = arith.subi %add3A_193, %sub3A_209 : i32
      %dma_wait3A_211 = arith.constant 0 : i32
      %dma_wait3A_212 = tpu.memref_slice %arg5[%sub3A_210, %dma_wait3A_211] : memref<64x4xi32, #tpu.memory_space<vmem>> -> memref<1x4xi32, #tpu.memory_space<vmem>>
      %dma_wait3A_213 = tpu.memref_squeeze %dma_wait3A_212 : memref<1x4xi32, #tpu.memory_space<vmem>> -> memref<4xi32, #tpu.memory_space<vmem>>
      %dma_wait3A_214 = arith.constant 0 : i32
      %dma_wait3A_215 = arith.constant 0 : i32
      %dma_wait3A_216 = tpu.memref_slice %arg2[%dma_wait3A_214, %dma_wait3A_215] : memref<8192x8192xf32, #tpu.memory_space<hbm>> -> memref<8192x8192xf32, #tpu.memory_space<hbm>>
      tpu.wait_indirect_dma semaphore(%arg9 : memref<!tpu.dma_semaphore, #tpu.memory_space<semaphore_mem>>) src(%dma_wait3A_216 : memref<8192x8192xf32, #tpu.memory_space<hbm>>) dst(%arg6 : memref<4x8192xf32, #tpu.memory_space<vmem>>)
      %sub3A_217 = arith.constant 2 : i32
      %sub3A_218 = arith.subi %add3A_193, %sub3A_217 : i32
      %mul3A_219 = arith.constant 4 : i32
      %mul3A_220 = arith.muli %sub3A_218, %mul3A_219 : i32
      %add3A_221 = arith.addi %mul3A_2, %mul3A_220 : i32
      %dma_start3A_222 = arith.constant 0 : i32
      %dma_start3A_223 = tpu.memref_slice %arg4[%add3A_221, %dma_start3A_222] : memref<8192x8192xf32, #tpu.memory_space<hbm>> -> memref<4x8192xf32, #tpu.memory_space<hbm>>
      %dma_start3A_224 = arith.constant 0 : i32
      %dma_start3A_225 = tpu.memref_slice %arg4[%add3A_221, %dma_start3A_224] : memref<8192x8192xf32, #tpu.memory_space<hbm>> -> memref<4x8192xf32, #tpu.memory_space<hbm>>
      tpu.enqueue_dma source(%arg6 : memref<4x8192xf32, #tpu.memory_space<vmem>>) target(%dma_start3A_225 : memref<4x8192xf32, #tpu.memory_space<hbm>>) target_semaphore(%arg12 : memref<!tpu.dma_semaphore, #tpu.memory_space<semaphore_mem>>)
    }
    %scan3A_41 = arith.constant 20 : i32
    %add3A_42 = arith.constant 240 : i32
    %add3A_43 = arith.addi %mul3A_2, %add3A_42 : i32
    %dma_wait3A_44 = arith.constant 0 : i32
    %dma_wait3A_45 = tpu.memref_slice %arg4[%add3A_43, %dma_wait3A_44] : memref<8192x8192xf32, #tpu.memory_space<hbm>> -> memref<4x8192xf32, #tpu.memory_space<hbm>>
    %dma_wait3A_46 = arith.constant 0 : i32
    %dma_wait3A_47 = tpu.memref_slice %arg4[%add3A_43, %dma_wait3A_46] : memref<8192x8192xf32, #tpu.memory_space<hbm>> -> memref<4x8192xf32, #tpu.memory_space<hbm>>
    tpu.wait_dma2 semaphore(%arg12 : memref<!tpu.dma_semaphore, #tpu.memory_space<semaphore_mem>>) src(%arg6 : memref<4x8192xf32, #tpu.memory_space<vmem>>) dst(%dma_wait3A_47 : memref<4x8192xf32, #tpu.memory_space<hbm>>)
    %dma_start3A_48 = arith.constant 63 : i32
    %dma_start3A_49 = arith.constant 0 : i32
    %dma_start3A_50 = tpu.memref_slice %arg5[%dma_start3A_48, %dma_start3A_49] : memref<64x4xi32, #tpu.memory_space<vmem>> -> memref<1x4xi32, #tpu.memory_space<vmem>>
    %dma_start3A_51 = tpu.memref_squeeze %dma_start3A_50 : memref<1x4xi32, #tpu.memory_space<vmem>> -> memref<4xi32, #tpu.memory_space<vmem>>
    %dma_start3A_52 = arith.constant 0 : i32
    %dma_start3A_53 = arith.constant 0 : i32
    %dma_start3A_54 = tpu.memref_slice %arg2[%dma_start3A_52, %dma_start3A_53] : memref<8192x8192xf32, #tpu.memory_space<hbm>> -> memref<8192x8192xf32, #tpu.memory_space<hbm>>
    tpu.enqueue_indirect_dma source(%dma_start3A_54 : memref<8192x8192xf32, #tpu.memory_space<hbm>>) target(%arg6 : memref<4x8192xf32, #tpu.memory_space<vmem>>) offsets(%dma_start3A_51 : memref<4xi32, #tpu.memory_space<vmem>>) semaphore(%arg9 : memref<!tpu.dma_semaphore, #tpu.memory_space<semaphore_mem>>)
    %dma_wait3A_55 = arith.constant 61 : i32
    %dma_wait3A_56 = arith.constant 0 : i32
    %dma_wait3A_57 = tpu.memref_slice %arg5[%dma_wait3A_55, %dma_wait3A_56] : memref<64x4xi32, #tpu.memory_space<vmem>> -> memref<1x4xi32, #tpu.memory_space<vmem>>
    %dma_wait3A_58 = tpu.memref_squeeze %dma_wait3A_57 : memref<1x4xi32, #tpu.memory_space<vmem>> -> memref<4xi32, #tpu.memory_space<vmem>>
    %dma_wait3A_59 = arith.constant 0 : i32
    %dma_wait3A_60 = arith.constant 0 : i32
    %dma_wait3A_61 = tpu.memref_slice %arg2[%dma_wait3A_59, %dma_wait3A_60] : memref<8192x8192xf32, #tpu.memory_space<hbm>> -> memref<8192x8192xf32, #tpu.memory_space<hbm>>
    tpu.wait_indirect_dma semaphore(%arg10 : memref<!tpu.dma_semaphore, #tpu.memory_space<semaphore_mem>>) src(%dma_wait3A_61 : memref<8192x8192xf32, #tpu.memory_space<hbm>>) dst(%arg7 : memref<4x8192xf32, #tpu.memory_space<vmem>>)
    %add3A_62 = arith.constant 244 : i32
    %add3A_63 = arith.addi %mul3A_2, %add3A_62 : i32
    %dma_start3A_64 = arith.constant 0 : i32
    %dma_start3A_65 = tpu.memref_slice %arg4[%add3A_63, %dma_start3A_64] : memref<8192x8192xf32, #tpu.memory_space<hbm>> -> memref<4x8192xf32, #tpu.memory_space<hbm>>
    %dma_start3A_66 = arith.constant 0 : i32
    %dma_start3A_67 = tpu.memref_slice %arg4[%add3A_63, %dma_start3A_66] : memref<8192x8192xf32, #tpu.memory_space<hbm>> -> memref<4x8192xf32, #tpu.memory_space<hbm>>
    tpu.enqueue_dma source(%arg7 : memref<4x8192xf32, #tpu.memory_space<vmem>>) target(%dma_start3A_67 : memref<4x8192xf32, #tpu.memory_space<hbm>>) target_semaphore(%arg13 : memref<!tpu.dma_semaphore, #tpu.memory_space<semaphore_mem>>)
    %dma_wait3A_68 = arith.constant 62 : i32
    %dma_wait3A_69 = arith.constant 0 : i32
    %dma_wait3A_70 = tpu.memref_slice %arg5[%dma_wait3A_68, %dma_wait3A_69] : memref<64x4xi32, #tpu.memory_space<vmem>> -> memref<1x4xi32, #tpu.memory_space<vmem>>
    %dma_wait3A_71 = tpu.memref_squeeze %dma_wait3A_70 : memref<1x4xi32, #tpu.memory_space<vmem>> -> memref<4xi32, #tpu.memory_space<vmem>>
    %dma_wait3A_72 = arith.constant 0 : i32
    %dma_wait3A_73 = arith.constant 0 : i32
    %dma_wait3A_74 = tpu.memref_slice %arg2[%dma_wait3A_72, %dma_wait3A_73] : memref<8192x8192xf32, #tpu.memory_space<hbm>> -> memref<8192x8192xf32, #tpu.memory_space<hbm>>
    tpu.wait_indirect_dma semaphore(%arg11 : memref<!tpu.dma_semaphore, #tpu.memory_space<semaphore_mem>>) src(%dma_wait3A_74 : memref<8192x8192xf32, #tpu.memory_space<hbm>>) dst(%arg8 : memref<4x8192xf32, #tpu.memory_space<vmem>>)
    %add3A_75 = arith.constant 248 : i32
    %add3A_76 = arith.addi %mul3A_2, %add3A_75 : i32
    %dma_start3A_77 = arith.constant 0 : i32
    %dma_start3A_78 = tpu.memref_slice %arg4[%add3A_76, %dma_start3A_77] : memref<8192x8192xf32, #tpu.memory_space<hbm>> -> memref<4x8192xf32, #tpu.memory_space<hbm>>
    %dma_start3A_79 = arith.constant 0 : i32
    %dma_start3A_80 = tpu.memref_slice %arg4[%add3A_76, %dma_start3A_79] : memref<8192x8192xf32, #tpu.memory_space<hbm>> -> memref<4x8192xf32, #tpu.memory_space<hbm>>
    tpu.enqueue_dma source(%arg8 : memref<4x8192xf32, #tpu.memory_space<vmem>>) target(%dma_start3A_80 : memref<4x8192xf32, #tpu.memory_space<hbm>>) target_semaphore(%arg14 : memref<!tpu.dma_semaphore, #tpu.memory_space<semaphore_mem>>)
    %dma_wait3A_81 = arith.constant 63 : i32
    %dma_wait3A_82 = arith.constant 0 : i32
    %dma_wait3A_83 = tpu.memref_slice %arg5[%dma_wait3A_81, %dma_wait3A_82] : memref<64x4xi32, #tpu.memory_space<vmem>> -> memref<1x4xi32, #tpu.memory_space<vmem>>
    %dma_wait3A_84 = tpu.memref_squeeze %dma_wait3A_83 : memref<1x4xi32, #tpu.memory_space<vmem>> -> memref<4xi32, #tpu.memory_space<vmem>>
    %dma_wait3A_85 = arith.constant 0 : i32
    %dma_wait3A_86 = arith.constant 0 : i32
    %dma_wait3A_87 = tpu.memref_slice %arg2[%dma_wait3A_85, %dma_wait3A_86] : memref<8192x8192xf32, #tpu.memory_space<hbm>> -> memref<8192x8192xf32, #tpu.memory_space<hbm>>
    tpu.wait_indirect_dma semaphore(%arg9 : memref<!tpu.dma_semaphore, #tpu.memory_space<semaphore_mem>>) src(%dma_wait3A_87 : memref<8192x8192xf32, #tpu.memory_space<hbm>>) dst(%arg6 : memref<4x8192xf32, #tpu.memory_space<vmem>>)
    %add3A_88 = arith.constant 252 : i32
    %add3A_89 = arith.addi %mul3A_2, %add3A_88 : i32
    %dma_start3A_90 = arith.constant 0 : i32
    %dma_start3A_91 = tpu.memref_slice %arg4[%add3A_89, %dma_start3A_90] : memref<8192x8192xf32, #tpu.memory_space<hbm>> -> memref<4x8192xf32, #tpu.memory_space<hbm>>
    %dma_start3A_92 = arith.constant 0 : i32
    %dma_start3A_93 = tpu.memref_slice %arg4[%add3A_89, %dma_start3A_92] : memref<8192x8192xf32, #tpu.memory_space<hbm>> -> memref<4x8192xf32, #tpu.memory_space<hbm>>
    tpu.enqueue_dma source(%arg6 : memref<4x8192xf32, #tpu.memory_space<vmem>>) target(%dma_start3A_93 : memref<4x8192xf32, #tpu.memory_space<hbm>>) target_semaphore(%arg12 : memref<!tpu.dma_semaphore, #tpu.memory_space<semaphore_mem>>)
    %add3A_94 = arith.constant 244 : i32
    %add3A_95 = arith.addi %mul3A_2, %add3A_94 : i32
    %dma_wait3A_96 = arith.constant 0 : i32
    %dma_wait3A_97 = tpu.memref_slice %arg4[%add3A_95, %dma_wait3A_96] : memref<8192x8192xf32, #tpu.memory_space<hbm>> -> memref<4x8192xf32, #tpu.memory_space<hbm>>
    %dma_wait3A_98 = arith.constant 0 : i32
    %dma_wait3A_99 = tpu.memref_slice %arg4[%add3A_95, %dma_wait3A_98] : memref<8192x8192xf32, #tpu.memory_space<hbm>> -> memref<4x8192xf32, #tpu.memory_space<hbm>>
    tpu.wait_dma2 semaphore(%arg13 : memref<!tpu.dma_semaphore, #tpu.memory_space<semaphore_mem>>) src(%arg7 : memref<4x8192xf32, #tpu.memory_space<vmem>>) dst(%dma_wait3A_99 : memref<4x8192xf32, #tpu.memory_space<hbm>>)
    %add3A_100 = arith.constant 248 : i32
    %add3A_101 = arith.addi %mul3A_2, %add3A_100 : i32
    %dma_wait3A_102 = arith.constant 0 : i32
    %dma_wait3A_103 = tpu.memref_slice %arg4[%add3A_101, %dma_wait3A_102] : memref<8192x8192xf32, #tpu.memory_space<hbm>> -> memref<4x8192xf32, #tpu.memory_space<hbm>>
    %dma_wait3A_104 = arith.constant 0 : i32
    %dma_wait3A_105 = tpu.memref_slice %arg4[%add3A_101, %dma_wait3A_104] : memref<8192x8192xf32, #tpu.memory_space<hbm>> -> memref<4x8192xf32, #tpu.memory_space<hbm>>
    tpu.wait_dma2 semaphore(%arg14 : memref<!tpu.dma_semaphore, #tpu.memory_space<semaphore_mem>>) src(%arg8 : memref<4x8192xf32, #tpu.memory_space<vmem>>) dst(%dma_wait3A_105 : memref<4x8192xf32, #tpu.memory_space<hbm>>)
    %add3A_106 = arith.constant 252 : i32
    %add3A_107 = arith.addi %mul3A_2, %add3A_106 : i32
    %dma_wait3A_108 = arith.constant 0 : i32
    %dma_wait3A_109 = tpu.memref_slice %arg4[%add3A_107, %dma_wait3A_108] : memref<8192x8192xf32, #tpu.memory_space<hbm>> -> memref<4x8192xf32, #tpu.memory_space<hbm>>
    %dma_wait3A_110 = arith.constant 0 : i32
    %dma_wait3A_111 = tpu.memref_slice %arg4[%add3A_107, %dma_wait3A_110] : memref<8192x8192xf32, #tpu.memory_space<hbm>> -> memref<4x8192xf32, #tpu.memory_space<hbm>>
    tpu.wait_dma2 semaphore(%arg12 : memref<!tpu.dma_semaphore, #tpu.memory_space<semaphore_mem>>) src(%arg6 : memref<4x8192xf32, #tpu.memory_space<vmem>>) dst(%dma_wait3A_111 : memref<4x8192xf32, #tpu.memory_space<hbm>>)
    return
  }
}

</mosaic_0001>

<sc_bundles>
// kernel: _gather.3.cloned.1.call-start
scs
__scs_entry_jumppad:
0x0: {  	(pc) =	sbr.rel $0x88, $3  }
0x1: {  	(tag) =	ssettag $0x0;
	lr =	simm.s32 $0x1  }
0x2: {  	[smem:$0x3F9F] =	sst lr;
	_ =	strace $0xD0000000  }
0x3: {  	_ = 	snop  }
0x4: {  	_ = 	snop  }
0x5: {  	_ = 	snop  }
0x6: {  	_ = 	snop  }
0x7: {  	_ = 	snop  }
__scs_overlays_trampoline_lowered:
0x8: {  	[smem:$0x3FAE] =	sst s0  }
0x9: {  	[smem:$0x3FAF] =	sst s1  }
0xa: {  	[smem:$0x3FB0] =	sst s2  }
0xb: {  	[smem:$0x3FB1] =	sst s3  }
0xc: {  	[smem:$0x3FB2] =	sst s4  }
0xd: {  	[smem:$0x3FB3] =	sst s5  }
0xe: {  	[smem:$0x3FB4] =	sst s6  }
0xf: {  	[smem:$0x3FB5] =	sst s7  }
0x10: {  	[smem:$0x3FB6] =	sst s8  }
0x11: {  	[smem:$0x3FB7] =	sst s9;
	s0 =	simm.s32 @!p0 $0x0  }
0x12: {  	s1 =	sld [smem:$0x3F9D];
	s0 =	simm.s32 @p0 $0x1  }
0x13: {  	[smem:$0x3FB8] =	sst s0;
	s0 =	simm.s32 @!p1 $0x0  }
0x14: {  	s2 =	sld [smem:$0x3F9C];
	s0 =	simm.s32 @p1 $0x1  }
0x15: {  	[smem:$0x3FB9] =	sst s0;
	s0 =	simm.s32 @!p2 $0x0  }
0x16: {  	s3 =	sld [smem:$0x3FDB];
	s0 =	simm.s32 @p2 $0x1  }
0x17: {  	s4 =	simm.s32 $0x1BF5;
	[smem:$0x3FBB] =	sst s0  }
0x18: {  	s0 =	sld [smem:$0x3F9E];
	_ =	swait.ge [sflag:s4], $0x0  }
0x19: {  	s7 =	sld [smem:$0x3F9F]  }
0x1a: {  	s8 =	sadd.s32 $0xFFFFE003, lr  }
0x1b: {  	s9 =	sadd.s32 $0xFFFFFEF7, lr;
	s5 =	simm.s32 $0xFFFFFFFF;
	p2 =	slt.u32 s8, $0xFFFFF086  }
0x1c: {  	p1 =	slt.u32 s9, $0xF7A;
	s5 =	simm.s32 @!p2 $0x0  }
0x1d: {  	s5 =	simm.s32 @p1 $0x1;
	p0 =	seq.s32 s7, s2  }
0x1e: {  	s7 =	smul.u32 @!p0 $0xF7A, s2;
	p2 =	seq.s32 @!p0 s5, $0x0  }
0x1f: {  	s9 =	smul.u32 $0xF7A, s1;
	s8 =	simm.s32 @!p0 $0x1BF5;
	p2 =	por !p2, p0  }
0x20: {  	[sflag:s8] =	ssyncset.s32 @!p0 $0xFFFFF086;
	s6 =	sadd.s32 @!p0 s3, s7;
	s7 =	simm.s32 @!p0 $0x108  }
0x21: {  	s3 =	sadd.s32 s3, s9;
	s6 =	sadd.s32 @!p0 $0x88, s6;
	s7 =	simm.s32 @p2 $0x1082  }
0x22: {  	[simem:s7], [sflag:s8] =	dma.local @!p0 [hbm:s6], $0xF7A  }
0x23: {  	s9 =	sor.u32 $0xD0000000, s2;
	s6 =	simm.s32 $0x108;
	_ =	swait.ge @!p0 [sflag:s8], $0x0  }
0x24: {  	s3 =	sadd.s32 $0x88, s3;
	s6 =	simm.s32 @!p1 $0x1082;
	[sflag:s4] =	ssyncset.s32 $0xFFFFF086  }
0x25: {  	[simem:s6], [sflag:s4] =	dma.local [hbm:s3], $0xF7A  }
0x26: {  	[smem:$0x3F9F] =	sst s1;
	(tag) =	ssettag s2;
	_ =	strace s9  }
0x27: {  	s1 =	sld [smem:$0x3FAF]  }
0x28: {  	s2 =	sld [smem:$0x3FB0]  }
0x29: {  	s4 =	sld [smem:$0x3FB2]  }
0x2a: {  	p0 =	seq.s32 s5, $0x0;
	s5 =	sld [smem:$0x3FB3]  }
0x2b: {  	s6 =	sld [smem:$0x3FB4]  }
0x2c: {  	s7 =	sld [smem:$0x3FB5]  }
0x2d: {  	s3 =	simm.s32 $0x108;
	s8 =	sld [smem:$0x3FB6]  }
0x2e: {  	s3 =	simm.s32 @!p0 $0x1082;
	s9 =	sld [smem:$0x3FB7]  }
0x2f: {  	lr =	sadd.s32 s0, s3;
	s0 =	sld [smem:$0x3FAE]  }
0x30: {  	s3 =	sld [smem:$0x3FB1]  }
0x31: {  	[smem:$0x3FBA] =	sst s10  }
0x32: {  	s10 =	sld [smem:$0x3FB8];
	_ =	sdelay $0x3  }
0x33: {  	p0 =	seq.s32 s10, $0x1;
	s10 =	sld [smem:$0x3FBA];
	_ =	sdelay $0x3  }
0x34: {  	[smem:$0x3FBA] =	sst s10  }
0x35: {  	s10 =	sld [smem:$0x3FB9];
	_ =	sdelay $0x3  }
0x36: {  	p1 =	seq.s32 s10, $0x1;
	s10 =	sld [smem:$0x3FBA];
	_ =	sdelay $0x3  }
0x37: {  	[smem:$0x3FBA] =	sst s10  }
0x38: {  	s10 =	sld [smem:$0x3FBB]  }
0x39: {  	_ = 	snop;
	(pc) =	sbr.ind lr, $3  }
0x3a: {  	_ = 	snop  }
0x3b: {  	_ = 	snop  }
0x3c: {  	p2 =	seq.s32 s10, $0x1;
	s10 =	sld [smem:$0x3FBA]  }
0x3d: {  	_ =	shalt  }
0x3e: {  	_ =	shalt  }
0x3f: {  	_ =	shalt  }
0x40: {  	_ =	shalt  }
0x41: {  	_ =	shalt  }
0x42: {  	_ =	shalt  }
0x43: {  	_ =	shalt  }
0x44: {  	_ =	shalt  }
0x45: {  	_ =	shalt  }
0x46: {  	_ =	shalt  }
0x47: {  	_ =	shalt  }
0x48: {  	_ =	shalt  }
0x49: {  	_ =	shalt  }
0x4a: {  	_ =	shalt  }
0x4b: {  	_ =	shalt  }
0x4c: {  	_ =	shalt  }
0x4d: {  	_ =	shalt  }
0x4e: {  	_ =	shalt  }
0x4f: {  	_ =	shalt  }
0x50: {  	_ =	shalt  }
0x51: {  	_ =	shalt  }
0x52: {  	_ =	shalt  }
0x53: {  	_ =	shalt  }
0x54: {  	_ =	shalt  }
0x55: {  	_ =	shalt  }
0x56: {  	_ =	shalt  }
0x57: {  	_ =	shalt  }
0x58: {  	_ =	shalt  }
0x59: {  	_ =	shalt  }
0x5a: {  	_ =	shalt  }
0x5b: {  	_ =	shalt  }
0x5c: {  	_ =	shalt  }
0x5d: {  	_ =	shalt  }
0x5e: {  	_ =	shalt  }
0x5f: {  	_ =	shalt  }
0x60: {  	_ =	shalt  }
0x61: {  	_ =	shalt  }
0x62: {  	_ =	shalt  }
0x63: {  	_ =	shalt  }
0x64: {  	_ =	shalt  }
0x65: {  	_ =	shalt  }
0x66: {  	_ =	shalt  }
0x67: {  	_ =	shalt  }
0x68: {  	_ =	shalt  }
0x69: {  	_ =	shalt  }
0x6a: {  	_ =	shalt  }
0x6b: {  	_ =	shalt  }
0x6c: {  	_ =	shalt  }
0x6d: {  	_ =	shalt  }
0x6e: {  	_ =	shalt  }
0x6f: {  	_ =	shalt  }
0x70: {  	_ =	shalt  }
0x71: {  	_ =	shalt  }
0x72: {  	_ =	shalt  }
0x73: {  	_ =	shalt  }
0x74: {  	_ =	shalt  }
0x75: {  	_ =	shalt  }
0x76: {  	_ =	shalt  }
0x77: {  	_ =	shalt  }
0x78: {  	_ =	shalt  }
0x79: {  	_ =	shalt  }
0x7a: {  	_ =	shalt  }
0x7b: {  	_ =	shalt  }
0x7c: {  	_ =	shalt  }
0x7d: {  	_ =	shalt  }
0x7e: {  	_ =	shalt  }
0x7f: {  	_ =	shalt  }
0x80: {  	_ =	shalt  }
0x81: {  	_ =	shalt  }
0x82: {  	_ =	shalt  }
0x83: {  	_ =	shalt  }
0x84: {  	_ =	shalt  }
0x85: {  	_ =	shalt  }
0x86: {  	_ =	shalt  }
0x87: {  	_ =	shalt  }
.Lfunc_end0:
.L_simem_size_0:
called_computation_lowered:
.L_overlay_start_0:
0x88: {  	s2 =	sld [smem:$0x3FD9]  }
0x89: {  	s3 =	sld [smem:$0x3FFE];
	_ =	sdelay $0x1  }
0x8a: {  	s1 =	srdreg.scid  }
0x8b: {  	s0 =	sand.u32 $0x1, s1  }
0x8c: {  	s17 =	sshll.u32 s0, $0xA;
	s2 =	sadd.s32 s3, s2  }
0x8d: {  	s2 =	sadd.s32 s2, s17  }
0x8e: {  	[smem:$0x3FC6] =	sst s2  }
0x8f: {  	_ = 	snop  }
0x90: {  	s2 =	sld [smem:$0x3FC9]  }
0x91: {  	s18 =	sld [smem:$0x3FD0];
	(tm) =	ssettm $0x1  }
0x92: {  	s4 =	sld [smem:$0x3FFB];
	_ =	sdelay $0x3  }
0x93: {  	_ =	strace s4  }
0x94: {  	s4 =	sld [smem:$0x3FFC];
	_ =	sdelay $0x3  }
0x95: {  	_ =	strace s4  }
0x96: {  	s4 =	sld [smem:$0x3FFD];
	_ =	sdelay $0x3  }
0x97: {  	_ =	strace s4  }
0x98: {  	_ =	strace $0x8FFFFFFF  }
0x99: {  	s19 =	sld [smem:$0x3FDB];
	_ =	sdelay $0x1  }
0x9a: {  	s5 =	simm.s32 $_scs_section_size  }
0x9b: {  	s6 =	simm.s32 $_size__tile_overlayer_lowered;
	s7 =	simm.s32 $_tile_overlayer_lowered  }
0x9c: {  	s22 =	simm.s32 $0x1BFF;
	s21 =	sshll.u32 s7, $0x1;
	s4 =	sadd.s32 s5, s19  }
0x9d: {  	s8 =	simm.s32 $0x0;
	s20 =	sshll.u32 s6, $0x1;
	s6 =	sadd.s32 s21, s4  }
0x9e: {  	[timem:s8], [sflag:s22] =	dma.local [hbm:s6], s20  }
0x9f: {  	_ =	swait.ge [sflag:s22], s20  }
0xa0: {  	s5 =	ssub.s32 $0x0, s20;
	[sflag:s22] =	ssyncset.done $0x0  }
0xa1: {  	[sflag:s22] =	ssyncadd.s32 s5;
	_ =	sdelay $0x1  }
0xa2: {  	s23 =	simm.s32 $0x1B8B  }
0xa3: {  	_ =	swait.ge [sflag:s23], $0x1  }
0xa4: {  	[sflag:s23] =	ssyncset.done $0x0  }
0xa5: {  	s25 =	simm.s32 $0x1B8E;
	s24 =	sld [smem:$0x3FFE];
	[sflag:s23] =	ssyncadd.s32 $0xFFFFFFFF  }
0xa6: {  	s26 =	simm.s32 $execute0_lowered;
	[smem:$0x3FD2] =	sst s25  }
0xa7: {  	s6 =	sshll.u32 s26, $0x1;
	_ =	strace $0x80000046;
	[dreg:$0x1] =	wrdreg $0xFFFFFFFF  }
0xa8: {  	s28 =	simm.s32 $_size_execute0_lowered;
	s4 =	sadd.s32 s4, s6;
	[dreg:$0x0] =	wrdreg $0x0  }
0xa9: {  	s6 =	sshll.u32 s28, $0x1;
	[dreg:$0x2] =	wrdreg s4  }
0xaa: {  	[dreg:$0x3] =	wrdreg s6  }
0xab: {  	[dreg:$0x4] =	wrdreg $0xC0  }
0xac: {  	_ =	task [dreg:s8], $0x5FFFF  }
0xad: {  	[dreg:$0x1] =	wrdreg $0xFFFFFFFF  }
0xae: {  	[dreg:$0x0] =	wrdreg $0x60  }
0xaf: {  	[dreg:$0x2] =	wrdreg s2  }
0xb0: {  	[dreg:$0x3] =	wrdreg s24  }
0xb1: {  	[dreg:$0x4] =	wrdreg s18  }
0xb2: {  	[dreg:$0x5] =	wrdreg $0x9  }
0xb3: {  	_ =	task.clear_ibuf [dreg:s8], $0x6FFFF;
	_ =	strace $0x90000046  }
0xb4: {  	s29 =	simm.s32 $0x9;
	_ =	strace $0x80000048  }
0xb5: {  	_ =	swait.ge [sflag:s29], $0x1  }
0xb6: {  	[sflag:s29] =	ssyncadd.s32 $0xFFFFFFFF  }
0xb7: {  	_ =	strace $0x90000048  }
0xb8: {  	_ =	sfence  }
0xb9: {  	s30 =	sld [smem:$0x0];
	_ =	sdelay $0x2  }
0xba: {  	s31 =	sshll.u32 s1, $0xD;
	s1 =	sshrl.u32 s1, $0x2  }
0xbb: {  	s3 =	sand.u32 $0x4000, s31;
	s1 =	sadd.s32 s1, s30  }
0xbc: {  	s0 =	sor.u32 s3, s0;
	s1 =	sshll.u32 s1, $0x11  }
0xbd: {  	s0 =	sor.u32 s1, s0  }
0xbe: {  	s0 =	sadd.s32 $0x8F2B, s0  }
0xbf: {  	[sflag:s0] =	ssyncadd.remote.s32 $0x1  }
0xc0: {  	_ =	sfence.sel $0xFFFF  }
0xc1: {  	[dreg:$0x0] =	wrdreg $0xFFFFFFFF;
	(pc) =	sbr.abs _section_cstart, $3  }
0xc2: {  	[dreg:$0x1] =	wrdreg $0xFFFFFFFF  }
0xc3: {  	_ =	task.clear_ibuf [dreg:s8], $0x2FFFF;
	_ =	strace $0x9FFFFFFF  }
0xc4: {  	(tm) =	ssettm $0x7FFFFFFF  }
0xc5: {  	_ =	shalt  }
tec
execute0_lowered:
.L_overlay_start_1:
0x0: {  	(tag) =	ssettag $0x1  }
0x1: {  	s3 =	rddreg [dreg:$0x0]  }
0x2: {  	s0 =	rddreg [dreg:$0x1]  }
0x3: {  	s23 =	rddreg [dreg:$0x2]  }
0x4: {  	s1 =	srdreg.scid;
	s2 =	stileid.u32;
	s4 =	simm.s32 $0x0  }
0x5: {  	s30 =	simm.s32 $0xA000;
	s28 =	simm.s32 $0xC800;
	s1 =	sand.u32 $0x1, s1  }
0x6: {  	s5 =	sshll.u32 s2, $0x1;
	[smem:$0x7FF] =	sst s4;
	s9 =	sadd.s32 $0x800, s3  }
0x7: {  	s10 =	sadd.s32 $0xA00, s3;
	s11 =	sadd.s32 $0xC00, s3;
	s12 =	sadd.s32 $0xE00, s3  }
0x8: {  	s13 =	sadd.s32 $0x1000, s3;
	s14 =	sadd.s32 $0x1200, s3;
	s15 =	sadd.s32 $0x1400, s3  }
0x9: {  	s16 =	sadd.s32 $0x1600, s3;
	s17 =	sadd.s32 $0x1800, s3;
	s18 =	sadd.s32 $0x1A00, s3  }
0xa: {  	s19 =	sadd.s32 $0x1C00, s3;
	s2 =	sshll.u32 s2, $0x13;
	s20 =	sadd.s32 $0x1E00, s3  }
0xb: {  	s5 =	sor.u32 s1, s5;
	s6 =	ssub.s32 $0x2, s1;
	_ =	strace $0x80000047  }
0xc: {  	s1 =	sshll.u32 s1, $0x12;
	s7 =	sshll.u32 s5, $0xA;
	s8 =	sshrl.u32 s6, $0x1  }
0xd: {  	s31 =	sshll.u32 s5, $0x12;
	s22 =	sor.u32 s1, s2;
	s0 =	sadd.s32 s7, s0  }
0xe: {  	s21 =	ssub.s32 s6, s8;
	s6 =	sadd.s32 $0x200, s3;
	s7 =	sadd.s32 $0x400, s3  }
0xf: {  	s8 =	sadd.s32 $0x600, s3;
	s3 =	sadd.s32 s23, s31;
	[dreg:$0x4] =	wrdreg s22  }
0x10: {  	s29 =	simm.s32 $0xD000;
	s0 =	sadd.s32 $0x400, s0;
	[dreg:$0x6] =	wrdreg s3  }
0x11: {  	s1 =	simm.s32 $0x200;
	s24 =	sadd.s32 $0x3C040, s3;
	[dreg:$0x5] =	wrdreg s0  }
0x12: {  	s2 =	simm.s32 $0x0;
	s25 =	sadd.s32 $0x3E000, s3;
	[dreg:$0x7] =	wrdreg s24  }
0x13: {  	s5 =	simm.s32 $0x2;
	s26 =	sadd.s32 $0x3E040, s3;
	[dreg:$0x8] =	wrdreg s25  }
0x14: {  	v0 =	vlaneseq.u32;
	s22 =	simm.s32 $0x400;
	s31 =	smax.u32 s21, $0x1;
	[dreg:$0x9] =	wrdreg s26  }
0x15: {  	v1 =	vshrl.u32 v0, $0x2;
	s3 =	simm.s32 $0xA800;
	s21 =	simm.s32 $0x12000;
	[dreg:$0xa] =	wrdreg s31  }
0x16: {  	vm0 =	vmmov $0xffff;
	v0 =	vand.u32 $0x3, v0;
	v1 =	vmul.u32 $0x8, v1;
	s24 =	simm.s32 $0xB000;
	s25 =	simm.s32 $0xB800;
	s26 =	simm.s32 $0xC000  }
.LBB2_1:
0x17: {  	[dreg:$0xb] =	wrdreg s2  }
0x18: {  	s0 =	rddreg [dreg:$0x5];
	s2 =	simm.s32 $0x7  }
0x19: {  	[tilespmem:s4], [sflag:$0x7] =	stream.linear.gather [hbm4b:s0+s4], $0x2000, $0x38;
	[tilespmem:$0x1A000] =	vst v63  }
0x1a: {  	_ =	swait.ge [sflag:s2], $0x2000  }
0x1b: {  	[sflag:s2] =	ssyncset.done $0x0  }
0x1c: {  	[sflag:s2] =	ssyncadd.s32 $0xFFFFE000  }
0x1d: {  	v2 =	vld.msk [tilespmem:$0x0], $0xf;
	_ =	sdelay $0x4  }
0x1e: {  	v3 =	vshll.u32 v2, $0x6  }
0x1f: {  	v2 =	vand.u32 $0x7, v2;
	v3 =	vand.u32 $0xFFFFFE00, v3  }
0x20: {  	v2 =	vor.u32 v2, v3  }
0x21: {  	v2 =	vperm.xlane v2, v0;
	_ =	sdelay $0x1  }
0x22: {  	v2 =	vadd.s32 v1, v2;
	_ =	sdelay $0x3  }
0x23: {  	s31 =	simm.s32 $0x2000;
	s0 =	rddreg [dreg:$0x0]  }
0x24: {  	[tilespmem:s31], [sflag:$0x1] =	stream.indirect_vreg.gather [hbm4b:s0+s4], $0x80, v2, vm0, $0xb8;
	[tilespmem:$0x1A000] =	vst v63  }
0x25: {  	s2 =	simm.s32 $0x2800  }
0x26: {  	[tilespmem:s2], [sflag:$0x1] =	stream.indirect_vreg.gather [hbm4b:s6+s4], $0x80, v2, vm0, $0xb8;
	[tilespmem:$0x1A000] =	vst v63  }
0x27: {  	s2 =	simm.s32 $0x3000  }
0x28: {  	[tilespmem:s2], [sflag:$0x1] =	stream.indirect_vreg.gather [hbm4b:s7+s4], $0x80, v2, vm0, $0xb8;
	[tilespmem:$0x1A000] =	vst v63  }
0x29: {  	s2 =	simm.s32 $0x3800  }
0x2a: {  	[tilespmem:s2], [sflag:$0x1] =	stream.indirect_vreg.gather [hbm4b:s8+s4], $0x80, v2, vm0, $0xb8;
	[tilespmem:$0x1A000] =	vst v63  }
0x2b: {  	s2 =	simm.s32 $0x4000  }
0x2c: {  	[tilespmem:s2], [sflag:$0x1] =	stream.indirect_vreg.gather [hbm4b:s9+s4], $0x80, v2, vm0, $0xb8;
	[tilespmem:$0x1A000] =	vst v63  }
0x2d: {  	s2 =	simm.s32 $0x4800  }
0x2e: {  	[tilespmem:s2], [sflag:$0x1] =	stream.indirect_vreg.gather [hbm4b:s10+s4], $0x80, v2, vm0, $0xb8;
	[tilespmem:$0x1A000] =	vst v63  }
0x2f: {  	s2 =	simm.s32 $0x5000  }
0x30: {  	[tilespmem:s2], [sflag:$0x1] =	stream.indirect_vreg.gather [hbm4b:s11+s4], $0x80, v2, vm0, $0xb8;
	[tilespmem:$0x1A000] =	vst v63  }
0x31: {  	s2 =	simm.s32 $0x5800  }
0x32: {  	[tilespmem:s2], [sflag:$0x1] =	stream.indirect_vreg.gather [hbm4b:s12+s4], $0x80, v2, vm0, $0xb8;
	[tilespmem:$0x1A000] =	vst v63  }
0x33: {  	s2 =	simm.s32 $0x6000  }
0x34: {  	[tilespmem:s2], [sflag:$0x1] =	stream.indirect_vreg.gather [hbm4b:s13+s4], $0x80, v2, vm0, $0xb8;
	[tilespmem:$0x1A000] =	vst v63  }
0x35: {  	s2 =	simm.s32 $0x6800  }
0x36: {  	[tilespmem:s2], [sflag:$0x1] =	stream.indirect_vreg.gather [hbm4b:s14+s4], $0x80, v2, vm0, $0xb8;
	[tilespmem:$0x1A000] =	vst v63  }
0x37: {  	s2 =	simm.s32 $0x7000  }
0x38: {  	[tilespmem:s2], [sflag:$0x1] =	stream.indirect_vreg.gather [hbm4b:s15+s4], $0x80, v2, vm0, $0xb8;
	[tilespmem:$0x1A000] =	vst v63  }
0x39: {  	s2 =	simm.s32 $0x7800  }
0x3a: {  	[tilespmem:s2], [sflag:$0x1] =	stream.indirect_vreg.gather [hbm4b:s16+s4], $0x80, v2, vm0, $0xb8;
	[tilespmem:$0x1A000] =	vst v63  }
0x3b: {  	s2 =	simm.s32 $0x8000  }
0x3c: {  	[tilespmem:s2], [sflag:$0x1] =	stream.indirect_vreg.gather [hbm4b:s17+s4], $0x80, v2, vm0, $0xb8;
	[tilespmem:$0x1A000] =	vst v63  }
0x3d: {  	s2 =	simm.s32 $0x8800  }
0x3e: {  	[tilespmem:s2], [sflag:$0x1] =	stream.indirect_vreg.gather [hbm4b:s18+s4], $0x80, v2, vm0, $0xb8;
	[tilespmem:$0x1A000] =	vst v63  }
0x3f: {  	s2 =	simm.s32 $0x9000  }
0x40: {  	[tilespmem:s2], [sflag:$0x1] =	stream.indirect_vreg.gather [hbm4b:s19+s4], $0x80, v2, vm0, $0xb8;
	[tilespmem:$0x1A000] =	vst v63  }
0x41: {  	s2 =	simm.s32 $0x9800  }
0x42: {  	[tilespmem:s2], [sflag:$0x1] =	stream.indirect_vreg.gather [hbm4b:s20+s4], $0x80, v2, vm0, $0xb8;
	[tilespmem:$0x1A000] =	vst v63  }
0x43: {  	v2 =	vld.msk [tilespmem:$0x80], $0xf;
	_ =	sdelay $0x4  }
0x44: {  	v3 =	vshll.u32 v2, $0x6  }
0x45: {  	v2 =	vand.u32 $0x7, v2;
	v3 =	vand.u32 $0xFFFFFE00, v3  }
0x46: {  	v2 =	vor.u32 v2, v3  }
0x47: {  	v2 =	vperm.xlane v2, v0;
	_ =	sdelay $0x1  }
0x48: {  	v2 =	vadd.s32 v1, v2;
	_ =	sdelay $0x4  }
0x49: {  	[tilespmem:s30], [sflag:$0x2] =	stream.indirect_vreg.gather [hbm4b:s0+s4], $0x80, v2, vm0, $0xb8;
	[tilespmem:$0x1A000] =	vst v63  }
0x4a: {  	_ = 	snop  }
0x4b: {  	[tilespmem:s3], [sflag:$0x2] =	stream.indirect_vreg.gather [hbm4b:s6+s4], $0x80, v2, vm0, $0xb8;
	[tilespmem:$0x1A000] =	vst v63  }
0x4c: {  	_ = 	snop  }
0x4d: {  	[tilespmem:s24], [sflag:$0x2] =	stream.indirect_vreg.gather [hbm4b:s7+s4], $0x80, v2, vm0, $0xb8;
	[tilespmem:$0x1A000] =	vst v63  }
0x4e: {  	_ = 	snop  }
0x4f: {  	[tilespmem:s25], [sflag:$0x2] =	stream.indirect_vreg.gather [hbm4b:s8+s4], $0x80, v2, vm0, $0xb8;
	[tilespmem:$0x1A000] =	vst v63  }
0x50: {  	_ = 	snop  }
0x51: {  	[tilespmem:s26], [sflag:$0x2] =	stream.indirect_vreg.gather [hbm4b:s9+s4], $0x80, v2, vm0, $0xb8;
	[tilespmem:$0x1A000] =	vst v63  }
0x52: {  	_ = 	snop  }
0x53: {  	[tilespmem:s28], [sflag:$0x2] =	stream.indirect_vreg.gather [hbm4b:s10+s4], $0x80, v2, vm0, $0xb8;
	[tilespmem:$0x1A000] =	vst v63  }
0x54: {  	_ = 	snop  }
0x55: {  	[tilespmem:s29], [sflag:$0x2] =	stream.indirect_vreg.gather [hbm4b:s11+s4], $0x80, v2, vm0, $0xb8;
	[tilespmem:$0x1A000] =	vst v63  }
0x56: {  	s25 =	simm.s32 $0xD800  }
0x57: {  	[tilespmem:s25], [sflag:$0x2] =	stream.indirect_vreg.gather [hbm4b:s12+s4], $0x80, v2, vm0, $0xb8;
	[tilespmem:$0x1A000] =	vst v63  }
0x58: {  	s26 =	simm.s32 $0xE000  }
0x59: {  	[tilespmem:s26], [sflag:$0x2] =	stream.indirect_vreg.gather [hbm4b:s13+s4], $0x80, v2, vm0, $0xb8;
	[tilespmem:$0x1A000] =	vst v63  }
0x5a: {  	s29 =	simm.s32 $0xE800  }
0x5b: {  	[tilespmem:s29], [sflag:$0x2] =	stream.indirect_vreg.gather [hbm4b:s14+s4], $0x80, v2, vm0, $0xb8;
	[tilespmem:$0x1A000] =	vst v63  }
0x5c: {  	s30 =	simm.s32 $0xF000  }
0x5d: {  	[tilespmem:s30], [sflag:$0x2] =	stream.indirect_vreg.gather [hbm4b:s15+s4], $0x80, v2, vm0, $0xb8;
	[tilespmem:$0x1A000] =	vst v63  }
0x5e: {  	s3 =	simm.s32 $0xF800  }
0x5f: {  	[tilespmem:s3], [sflag:$0x2] =	stream.indirect_vreg.gather [hbm4b:s16+s4], $0x80, v2, vm0, $0xb8;
	[tilespmem:$0x1A000] =	vst v63  }
0x60: {  	s24 =	simm.s32 $0x10000  }
0x61: {  	[tilespmem:s24], [sflag:$0x2] =	stream.indirect_vreg.gather [hbm4b:s17+s4], $0x80, v2, vm0, $0xb8;
	[tilespmem:$0x1A000] =	vst v63  }
0x62: {  	s25 =	simm.s32 $0x10800  }
0x63: {  	[tilespmem:s25], [sflag:$0x2] =	stream.indirect_vreg.gather [hbm4b:s18+s4], $0x80, v2, vm0, $0xb8;
	[tilespmem:$0x1A000] =	vst v63  }
0x64: {  	s26 =	simm.s32 $0x11000  }
0x65: {  	[tilespmem:s26], [sflag:$0x2] =	stream.indirect_vreg.gather [hbm4b:s19+s4], $0x80, v2, vm0, $0xb8;
	[tilespmem:$0x1A000] =	vst v63  }
0x66: {  	s29 =	simm.s32 $0x11800  }
0x67: {  	[tilespmem:s29], [sflag:$0x2] =	stream.indirect_vreg.gather [hbm4b:s20+s4], $0x80, v2, vm0, $0xb8;
	[tilespmem:$0x1A000] =	vst v63  }
0x68: {  	v2 =	vld.msk [tilespmem:$0x100], $0xf;
	_ =	sdelay $0x4  }
0x69: {  	v3 =	vshll.u32 v2, $0x6  }
0x6a: {  	v2 =	vand.u32 $0x7, v2;
	v3 =	vand.u32 $0xFFFFFE00, v3  }
0x6b: {  	v2 =	vor.u32 v2, v3  }
0x6c: {  	v2 =	vperm.xlane v2, v0;
	_ =	sdelay $0x1  }
0x6d: {  	v2 =	vadd.s32 v1, v2;
	_ =	sdelay $0x4  }
0x6e: {  	[tilespmem:s21], [sflag:$0x3] =	stream.indirect_vreg.gather [hbm4b:s0+s4], $0x80, v2, vm0, $0xb8;
	[tilespmem:$0x1A000] =	vst v63  }
0x6f: {  	s30 =	simm.s32 $0x12800  }
0x70: {  	[tilespmem:s30], [sflag:$0x3] =	stream.indirect_vreg.gather [hbm4b:s6+s4], $0x80, v2, vm0, $0xb8;
	[tilespmem:$0x1A000] =	vst v63  }
0x71: {  	s2 =	simm.s32 $0x13000  }
0x72: {  	[tilespmem:s2], [sflag:$0x3] =	stream.indirect_vreg.gather [hbm4b:s7+s4], $0x80, v2, vm0, $0xb8;
	[tilespmem:$0x1A000] =	vst v63  }
0x73: {  	s3 =	simm.s32 $0x13800  }
0x74: {  	[tilespmem:s3], [sflag:$0x3] =	stream.indirect_vreg.gather [hbm4b:s8+s4], $0x80, v2, vm0, $0xb8;
	[tilespmem:$0x1A000] =	vst v63  }
0x75: {  	s21 =	simm.s32 $0x14000  }
0x76: {  	[tilespmem:s21], [sflag:$0x3] =	stream.indirect_vreg.gather [hbm4b:s9+s4], $0x80, v2, vm0, $0xb8;
	[tilespmem:$0x1A000] =	vst v63  }
0x77: {  	s24 =	simm.s32 $0x14800  }
0x78: {  	[tilespmem:s24], [sflag:$0x3] =	stream.indirect_vreg.gather [hbm4b:s10+s4], $0x80, v2, vm0, $0xb8;
	[tilespmem:$0x1A000] =	vst v63  }
0x79: {  	s25 =	simm.s32 $0x15000  }
0x7a: {  	[tilespmem:s25], [sflag:$0x3] =	stream.indirect_vreg.gather [hbm4b:s11+s4], $0x80, v2, vm0, $0xb8;
	[tilespmem:$0x1A000] =	vst v63  }
0x7b: {  	s26 =	simm.s32 $0x15800  }
0x7c: {  	[tilespmem:s26], [sflag:$0x3] =	stream.indirect_vreg.gather [hbm4b:s12+s4], $0x80, v2, vm0, $0xb8;
	[tilespmem:$0x1A000] =	vst v63  }
0x7d: {  	s29 =	simm.s32 $0x16000  }
0x7e: {  	[tilespmem:s29], [sflag:$0x3] =	stream.indirect_vreg.gather [hbm4b:s13+s4], $0x80, v2, vm0, $0xb8;
	[tilespmem:$0x1A000] =	vst v63  }
0x7f: {  	s30 =	simm.s32 $0x16800  }
0x80: {  	[tilespmem:s30], [sflag:$0x3] =	stream.indirect_vreg.gather [hbm4b:s14+s4], $0x80, v2, vm0, $0xb8;
	[tilespmem:$0x1A000] =	vst v63  }
0x81: {  	s2 =	simm.s32 $0x17000  }
0x82: {  	[tilespmem:s2], [sflag:$0x3] =	stream.indirect_vreg.gather [hbm4b:s15+s4], $0x80, v2, vm0, $0xb8;
	[tilespmem:$0x1A000] =	vst v63  }
0x83: {  	s3 =	simm.s32 $0x17800  }
0x84: {  	[tilespmem:s3], [sflag:$0x3] =	stream.indirect_vreg.gather [hbm4b:s16+s4], $0x80, v2, vm0, $0xb8;
	[tilespmem:$0x1A000] =	vst v63  }
0x85: {  	s21 =	simm.s32 $0x18000  }
0x86: {  	[tilespmem:s21], [sflag:$0x3] =	stream.indirect_vreg.gather [hbm4b:s17+s4], $0x80, v2, vm0, $0xb8;
	[tilespmem:$0x1A000] =	vst v63  }
0x87: {  	s24 =	simm.s32 $0x18800  }
0x88: {  	[tilespmem:s24], [sflag:$0x3] =	stream.indirect_vreg.gather [hbm4b:s18+s4], $0x80, v2, vm0, $0xb8;
	[tilespmem:$0x1A000] =	vst v63  }
0x89: {  	s25 =	simm.s32 $0x19000  }
0x8a: {  	[tilespmem:s25], [sflag:$0x3] =	stream.indirect_vreg.gather [hbm4b:s19+s4], $0x80, v2, vm0, $0xb8;
	[tilespmem:$0x1A000] =	vst v63  }
0x8b: {  	s26 =	simm.s32 $0x19800;
	s29 =	simm.s32 $0x1  }
0x8c: {  	[tilespmem:s26], [sflag:$0x3] =	stream.indirect_vreg.gather [hbm4b:s20+s4], $0x80, v2, vm0, $0xb8;
	[tilespmem:$0x1A000] =	vst v63  }
0x8d: {  	_ =	swait.ge [sflag:s29], $0x8000  }
0x8e: {  	[sflag:s29] =	ssyncset.done $0x0  }
0x8f: {  	s28 =	simm.s32 $0x0;
	s30 =	rddreg [dreg:$0x6];
	[sflag:s29] =	ssyncadd.s32 $0xFFFF8000  }
0x90: {  	[hbm4b:s30+s1] =	stream.strided.scatter [tilespmem:s31], [sflag:$0x4], $0x8000, s22, s1, $0x38;
	[tilespmem:$0x1A000] =	vst v63  }
0x91: {  	s0 =	simm.s32 $0x0;
	s25 =	simm.s32 $0x280;
	s1 =	simm.s32 $0xC0  }
.LBB2_2:
0x92: {  	s2 =	simm.s32 $0x4  }
0x93: {  	_ =	swait.ge [sflag:s2], $0x8000  }
0x94: {  	[sflag:s2] =	ssyncset.done $0x0  }
0x95: {  	[sflag:s2] =	ssyncadd.s32 $0xFFFF8000  }
0x96: {  	v2 =	vld.msk [tilespmem:s25+$0xFFFFFF00], $0xf;
	_ =	sdelay $0x4  }
0x97: {  	v3 =	vshll.u32 v2, $0x6  }
0x98: {  	v2 =	vand.u32 $0x7, v2;
	v3 =	vand.u32 $0xFFFFFE00, v3  }
0x99: {  	v2 =	vor.u32 v2, v3  }
0x9a: {  	v2 =	vperm.xlane v2, v0;
	_ =	sdelay $0x1  }
0x9b: {  	v2 =	vadd.s32 v1, v2;
	_ =	sdelay $0x3  }
0x9c: {  	s26 =	smov.u32 s23;
	s29 =	simm.s32 $0x2000;
	s23 =	rddreg [dreg:$0x0]  }
0x9d: {  	[tilespmem:s29], [sflag:$0x1] =	stream.indirect_vreg.gather [hbm4b:s23+s4], $0x80, v2, vm0, $0xb8;
	[tilespmem:$0x1A000] =	vst v63  }
0x9e: {  	s31 =	simm.s32 $0x2800  }
0x9f: {  	[tilespmem:s31], [sflag:$0x1] =	stream.indirect_vreg.gather [hbm4b:s6+s4], $0x80, v2, vm0, $0xb8;
	[tilespmem:$0x1A000] =	vst v63  }
0xa0: {  	s3 =	simm.s32 $0x3000  }
0xa1: {  	[tilespmem:s3], [sflag:$0x1] =	stream.indirect_vreg.gather [hbm4b:s7+s4], $0x80, v2, vm0, $0xb8;
	[tilespmem:$0x1A000] =	vst v63  }
0xa2: {  	s21 =	simm.s32 $0x3800  }
0xa3: {  	[tilespmem:s21], [sflag:$0x1] =	stream.indirect_vreg.gather [hbm4b:s8+s4], $0x80, v2, vm0, $0xb8;
	[tilespmem:$0x1A000] =	vst v63  }
0xa4: {  	s22 =	simm.s32 $0x4000  }
0xa5: {  	[tilespmem:s22], [sflag:$0x1] =	stream.indirect_vreg.gather [hbm4b:s9+s4], $0x80, v2, vm0, $0xb8;
	[tilespmem:$0x1A000] =	vst v63  }
0xa6: {  	s24 =	simm.s32 $0x4800  }
0xa7: {  	[tilespmem:s24], [sflag:$0x1] =	stream.indirect_vreg.gather [hbm4b:s10+s4], $0x80, v2, vm0, $0xb8;
	[tilespmem:$0x1A000] =	vst v63  }
0xa8: {  	s31 =	simm.s32 $0x5000  }
0xa9: {  	[tilespmem:s31], [sflag:$0x1] =	stream.indirect_vreg.gather [hbm4b:s11+s4], $0x80, v2, vm0, $0xb8;
	[tilespmem:$0x1A000] =	vst v63  }
0xaa: {  	s3 =	simm.s32 $0x5800  }
0xab: {  	[tilespmem:s3], [sflag:$0x1] =	stream.indirect_vreg.gather [hbm4b:s12+s4], $0x80, v2, vm0, $0xb8;
	[tilespmem:$0x1A000] =	vst v63  }
0xac: {  	s21 =	simm.s32 $0x6000  }
0xad: {  	[tilespmem:s21], [sflag:$0x1] =	stream.indirect_vreg.gather [hbm4b:s13+s4], $0x80, v2, vm0, $0xb8;
	[tilespmem:$0x1A000] =	vst v63  }
0xae: {  	s22 =	simm.s32 $0x6800  }
0xaf: {  	[tilespmem:s22], [sflag:$0x1] =	stream.indirect_vreg.gather [hbm4b:s14+s4], $0x80, v2, vm0, $0xb8;
	[tilespmem:$0x1A000] =	vst v63  }
0xb0: {  	s24 =	simm.s32 $0x7000  }
0xb1: {  	[tilespmem:s24], [sflag:$0x1] =	stream.indirect_vreg.gather [hbm4b:s15+s4], $0x80, v2, vm0, $0xb8;
	[tilespmem:$0x1A000] =	vst v63  }
0xb2: {  	s31 =	simm.s32 $0x7800  }
0xb3: {  	[tilespmem:s31], [sflag:$0x1] =	stream.indirect_vreg.gather [hbm4b:s16+s4], $0x80, v2, vm0, $0xb8;
	[tilespmem:$0x1A000] =	vst v63  }
0xb4: {  	s3 =	simm.s32 $0x8000  }
0xb5: {  	[tilespmem:s3], [sflag:$0x1] =	stream.indirect_vreg.gather [hbm4b:s17+s4], $0x80, v2, vm0, $0xb8;
	[tilespmem:$0x1A000] =	vst v63  }
0xb6: {  	s21 =	simm.s32 $0x8800  }
0xb7: {  	[tilespmem:s21], [sflag:$0x1] =	stream.indirect_vreg.gather [hbm4b:s18+s4], $0x80, v2, vm0, $0xb8;
	[tilespmem:$0x1A000] =	vst v63  }
0xb8: {  	s22 =	simm.s32 $0x9000  }
0xb9: {  	[tilespmem:s22], [sflag:$0x1] =	stream.indirect_vreg.gather [hbm4b:s19+s4], $0x80, v2, vm0, $0xb8;
	[tilespmem:$0x1A000] =	vst v63  }
0xba: {  	s24 =	simm.s32 $0x9800  }
0xbb: {  	[tilespmem:s24], [sflag:$0x1] =	stream.indirect_vreg.gather [hbm4b:s20+s4], $0x80, v2, vm0, $0xb8;
	[tilespmem:$0x1A000] =	vst v63  }
0xbc: {  	s3 =	sadd.s32 $0xFFFFFF80, s1;
	_ =	swait.ge [sflag:s5], $0x8000  }
0xbd: {  	s3 =	sand.u32 $0x40, s3;
	s24 =	rddreg [dreg:$0x4]  }
0xbe: {  	s3 =	sadd.s32 s26, s3;
	s24 =	sadd.s32 s0, s24  }
0xbf: {  	s21 =	simm.s32 $0x5;
	[sflag:s5] =	ssyncset.done $0x0;
	s31 =	sadd.s32 $0x1000, s24  }
0xc0: {  	s22 =	simm.s32 $0x200;
	[sflag:s5] =	ssyncadd.s32 $0xFFFF8000;
	s2 =	sand.u32 $0xFFFE000, s31  }
0xc1: {  	s31 =	simm.s32 $0x400;
	s2 =	sadd.s32 s2, s3;
	s3 =	simm.s32 $0xA000  }
0xc2: {  	[hbm4b:s2+s22] =	stream.strided.scatter [tilespmem:s3], [sflag:$0x5], $0x8000, s31, s22, $0x38;
	[tilespmem:$0x1A000] =	vst v63  }
0xc3: {  	_ =	swait.ge [sflag:s21], $0x8000  }
0xc4: {  	[sflag:s21] =	ssyncset.done $0x0  }
0xc5: {  	[sflag:s21] =	ssyncadd.s32 $0xFFFF8000  }
0xc6: {  	v2 =	vld.msk [tilespmem:s25+$0xFFFFFF80], $0xf;
	_ =	sdelay $0x4  }
0xc7: {  	v3 =	vshll.u32 v2, $0x6  }
0xc8: {  	v2 =	vand.u32 $0x7, v2;
	v3 =	vand.u32 $0xFFFFFE00, v3  }
0xc9: {  	v2 =	vor.u32 v2, v3  }
0xca: {  	v2 =	vperm.xlane v2, v0;
	_ =	sdelay $0x1  }
0xcb: {  	v2 =	vadd.s32 v1, v2;
	_ =	sdelay $0x4  }
0xcc: {  	[tilespmem:s3], [sflag:$0x2] =	stream.indirect_vreg.gather [hbm4b:s23+s4], $0x80, v2, vm0, $0xb8;
	[tilespmem:$0x1A000] =	vst v63  }
0xcd: {  	s3 =	simm.s32 $0xA800  }
0xce: {  	[tilespmem:s3], [sflag:$0x2] =	stream.indirect_vreg.gather [hbm4b:s6+s4], $0x80, v2, vm0, $0xb8;
	[tilespmem:$0x1A000] =	vst v63  }
0xcf: {  	s21 =	simm.s32 $0xB000  }
0xd0: {  	[tilespmem:s21], [sflag:$0x2] =	stream.indirect_vreg.gather [hbm4b:s7+s4], $0x80, v2, vm0, $0xb8;
	[tilespmem:$0x1A000] =	vst v63  }
0xd1: {  	s3 =	simm.s32 $0xB800  }
0xd2: {  	[tilespmem:s3], [sflag:$0x2] =	stream.indirect_vreg.gather [hbm4b:s8+s4], $0x80, v2, vm0, $0xb8;
	[tilespmem:$0x1A000] =	vst v63  }
0xd3: {  	s21 =	simm.s32 $0xC000  }
0xd4: {  	[tilespmem:s21], [sflag:$0x2] =	stream.indirect_vreg.gather [hbm4b:s9+s4], $0x80, v2, vm0, $0xb8;
	[tilespmem:$0x1A000] =	vst v63  }
0xd5: {  	s3 =	simm.s32 $0xC800  }
0xd6: {  	[tilespmem:s3], [sflag:$0x2] =	stream.indirect_vreg.gather [hbm4b:s10+s4], $0x80, v2, vm0, $0xb8;
	[tilespmem:$0x1A000] =	vst v63  }
0xd7: {  	s21 =	simm.s32 $0xD000  }
0xd8: {  	[tilespmem:s21], [sflag:$0x2] =	stream.indirect_vreg.gather [hbm4b:s11+s4], $0x80, v2, vm0, $0xb8;
	[tilespmem:$0x1A000] =	vst v63  }
0xd9: {  	s3 =	simm.s32 $0xD800  }
0xda: {  	[tilespmem:s3], [sflag:$0x2] =	stream.indirect_vreg.gather [hbm4b:s12+s4], $0x80, v2, vm0, $0xb8;
	[tilespmem:$0x1A000] =	vst v63  }
0xdb: {  	s21 =	simm.s32 $0xE000  }
0xdc: {  	[tilespmem:s21], [sflag:$0x2] =	stream.indirect_vreg.gather [hbm4b:s13+s4], $0x80, v2, vm0, $0xb8;
	[tilespmem:$0x1A000] =	vst v63  }
0xdd: {  	s3 =	simm.s32 $0xE800  }
0xde: {  	[tilespmem:s3], [sflag:$0x2] =	stream.indirect_vreg.gather [hbm4b:s14+s4], $0x80, v2, vm0, $0xb8;
	[tilespmem:$0x1A000] =	vst v63  }
0xdf: {  	s21 =	simm.s32 $0xF000  }
0xe0: {  	[tilespmem:s21], [sflag:$0x2] =	stream.indirect_vreg.gather [hbm4b:s15+s4], $0x80, v2, vm0, $0xb8;
	[tilespmem:$0x1A000] =	vst v63  }
0xe1: {  	s3 =	simm.s32 $0xF800  }
0xe2: {  	[tilespmem:s3], [sflag:$0x2] =	stream.indirect_vreg.gather [hbm4b:s16+s4], $0x80, v2, vm0, $0xb8;
	[tilespmem:$0x1A000] =	vst v63  }
0xe3: {  	s21 =	simm.s32 $0x10000  }
0xe4: {  	[tilespmem:s21], [sflag:$0x2] =	stream.indirect_vreg.gather [hbm4b:s17+s4], $0x80, v2, vm0, $0xb8;
	[tilespmem:$0x1A000] =	vst v63  }
0xe5: {  	s3 =	simm.s32 $0x10800  }
0xe6: {  	[tilespmem:s3], [sflag:$0x2] =	stream.indirect_vreg.gather [hbm4b:s18+s4], $0x80, v2, vm0, $0xb8;
	[tilespmem:$0x1A000] =	vst v63  }
0xe7: {  	s21 =	simm.s32 $0x11000  }
0xe8: {  	[tilespmem:s21], [sflag:$0x2] =	stream.indirect_vreg.gather [hbm4b:s19+s4], $0x80, v2, vm0, $0xb8;
	[tilespmem:$0x1A000] =	vst v63  }
0xe9: {  	s3 =	simm.s32 $0x11800  }
0xea: {  	[tilespmem:s3], [sflag:$0x2] =	stream.indirect_vreg.gather [hbm4b:s20+s4], $0x80, v2, vm0, $0xb8;
	[tilespmem:$0x1A000] =	vst v63  }
0xeb: {  	s2 =	sadd.s32 $0x2000, s24;
	s21 =	simm.s32 $0x3;
	s3 =	sand.u32 $0x40, s28  }
0xec: {  	s2 =	sand.u32 $0xFFFE000, s2;
	_ =	swait.ge [sflag:s21], $0x8000;
	s3 =	sadd.s32 s26, s3  }
0xed: {  	[sflag:s21] =	ssyncset.done $0x0;
	s2 =	sadd.s32 s2, s3  }
0xee: {  	s3 =	simm.s32 $0x12000;
	[sflag:s21] =	ssyncadd.s32 $0xFFFF8000;
	s21 =	simm.s32 $0x6  }
0xef: {  	[hbm4b:s2+s22] =	stream.strided.scatter [tilespmem:s3], [sflag:$0x6], $0x8000, s31, s22, $0x38;
	[tilespmem:$0x1A000] =	vst v63  }
0xf0: {  	_ =	swait.ge [sflag:s21], $0x8000  }
0xf1: {  	[sflag:s21] =	ssyncset.done $0x0  }
0xf2: {  	[sflag:s21] =	ssyncadd.s32 $0xFFFF8000  }
0xf3: {  	v2 =	vld.msk [tilespmem:s25+$0x0], $0xf;
	_ =	sdelay $0x4  }
0xf4: {  	v3 =	vshll.u32 v2, $0x6  }
0xf5: {  	v2 =	vand.u32 $0x7, v2;
	v3 =	vand.u32 $0xFFFFFE00, v3  }
0xf6: {  	v2 =	vor.u32 v2, v3  }
0xf7: {  	v2 =	vperm.xlane v2, v0;
	_ =	sdelay $0x1  }
0xf8: {  	v2 =	vadd.s32 v1, v2;
	_ =	sdelay $0x4  }
0xf9: {  	[tilespmem:s3], [sflag:$0x3] =	stream.indirect_vreg.gather [hbm4b:s23+s4], $0x80, v2, vm0, $0xb8;
	[tilespmem:$0x1A000] =	vst v63  }
0xfa: {  	s23 =	smov.u32 s26;
	s26 =	simm.s32 $0x12800  }
0xfb: {  	[tilespmem:s26], [sflag:$0x3] =	stream.indirect_vreg.gather [hbm4b:s6+s4], $0x80, v2, vm0, $0xb8;
	[tilespmem:$0x1A000] =	vst v63  }
0xfc: {  	s3 =	simm.s32 $0x13000  }
0xfd: {  	[tilespmem:s3], [sflag:$0x3] =	stream.indirect_vreg.gather [hbm4b:s7+s4], $0x80, v2, vm0, $0xb8;
	[tilespmem:$0x1A000] =	vst v63  }
0xfe: {  	s26 =	simm.s32 $0x13800  }
0xff: {  	[tilespmem:s26], [sflag:$0x3] =	stream.indirect_vreg.gather [hbm4b:s8+s4], $0x80, v2, vm0, $0xb8;
	[tilespmem:$0x1A000] =	vst v63  }
0x100: {  	s3 =	simm.s32 $0x14000  }
0x101: {  	[tilespmem:s3], [sflag:$0x3] =	stream.indirect_vreg.gather [hbm4b:s9+s4], $0x80, v2, vm0, $0xb8;
	[tilespmem:$0x1A000] =	vst v63  }
0x102: {  	s26 =	simm.s32 $0x14800  }
0x103: {  	[tilespmem:s26], [sflag:$0x3] =	stream.indirect_vreg.gather [hbm4b:s10+s4], $0x80, v2, vm0, $0xb8;
	[tilespmem:$0x1A000] =	vst v63  }
0x104: {  	s3 =	simm.s32 $0x15000  }
0x105: {  	[tilespmem:s3], [sflag:$0x3] =	stream.indirect_vreg.gather [hbm4b:s11+s4], $0x80, v2, vm0, $0xb8;
	[tilespmem:$0x1A000] =	vst v63  }
0x106: {  	s26 =	simm.s32 $0x15800  }
0x107: {  	[tilespmem:s26], [sflag:$0x3] =	stream.indirect_vreg.gather [hbm4b:s12+s4], $0x80, v2, vm0, $0xb8;
	[tilespmem:$0x1A000] =	vst v63  }
0x108: {  	s3 =	simm.s32 $0x16000  }
0x109: {  	[tilespmem:s3], [sflag:$0x3] =	stream.indirect_vreg.gather [hbm4b:s13+s4], $0x80, v2, vm0, $0xb8;
	[tilespmem:$0x1A000] =	vst v63  }
0x10a: {  	s26 =	simm.s32 $0x16800  }
0x10b: {  	[tilespmem:s26], [sflag:$0x3] =	stream.indirect_vreg.gather [hbm4b:s14+s4], $0x80, v2, vm0, $0xb8;
	[tilespmem:$0x1A000] =	vst v63  }
0x10c: {  	s3 =	simm.s32 $0x17000  }
0x10d: {  	[tilespmem:s3], [sflag:$0x3] =	stream.indirect_vreg.gather [hbm4b:s15+s4], $0x80, v2, vm0, $0xb8;
	[tilespmem:$0x1A000] =	vst v63  }
0x10e: {  	s26 =	simm.s32 $0x17800  }
0x10f: {  	[tilespmem:s26], [sflag:$0x3] =	stream.indirect_vreg.gather [hbm4b:s16+s4], $0x80, v2, vm0, $0xb8;
	[tilespmem:$0x1A000] =	vst v63  }
0x110: {  	s3 =	simm.s32 $0x18000  }
0x111: {  	[tilespmem:s3], [sflag:$0x3] =	stream.indirect_vreg.gather [hbm4b:s17+s4], $0x80, v2, vm0, $0xb8;
	[tilespmem:$0x1A000] =	vst v63  }
0x112: {  	s30 =	simm.s32 $0xA000;
	s26 =	simm.s32 $0x18800  }
0x113: {  	[tilespmem:s26], [sflag:$0x3] =	stream.indirect_vreg.gather [hbm4b:s18+s4], $0x80, v2, vm0, $0xb8;
	[tilespmem:$0x1A000] =	vst v63  }
0x114: {  	p0 =	sne.s32 s0, $0x39000;
	s0 =	sadd.s32 $0x3000, s0;
	s3 =	simm.s32 $0x19000  }
0x115: {  	[tilespmem:s3], [sflag:$0x3] =	stream.indirect_vreg.gather [hbm4b:s19+s4], $0x80, v2, vm0, $0xb8;
	[tilespmem:$0x1A000] =	vst v63  }
0x116: {  	s28 =	sadd.s32 $0x40, s28;
	s21 =	simm.s32 $0x12000;
	s26 =	simm.s32 $0x19800  }
0x117: {  	[tilespmem:s26], [sflag:$0x3] =	stream.indirect_vreg.gather [hbm4b:s20+s4], $0x80, v2, vm0, $0xb8;
	[tilespmem:$0x1A000] =	vst v63  }
.Ltmp0:
0x118: {  	s25 =	sadd.s32 $0x180, s25;
	s26 =	simm.s32 $0x1;
	(pc) =	sbr.rel @p0 .LBB2_2-.Ltmp0, $4  }
0x119: {  	s3 =	sadd.s32 $0x3000, s24;
	s24 =	sand.u32 $0x40, s1;
	_ =	swait.ge [sflag:s26], $0x8000  }
0x11a: {  	s2 =	sand.u32 $0xFFE000, s3;
	s3 =	sadd.s32 s23, s24;
	[sflag:s26] =	ssyncset.done $0x0  }
0x11b: {  	s1 =	sadd.s32 $0xC0, s1;
	s2 =	sadd.s32 s2, s3;
	[sflag:s26] =	ssyncadd.s32 $0xFFFF8000  }
0x11c: {  	[hbm4b:s2+s22] =	stream.strided.scatter [tilespmem:s29], [sflag:$0x4], $0x8000, s31, s22, $0x38;
	[tilespmem:$0x1A000] =	vst v63  }
0x11d: {  	s25 =	simm.s32 $0x4  }
0x11e: {  	_ =	swait.ge [sflag:s25], $0x8000  }
0x11f: {  	[sflag:s25] =	ssyncset.done $0x0  }
0x120: {  	[sflag:s25] =	ssyncadd.s32 $0xFFFF8000  }
0x121: {  	v2 =	vld.msk [tilespmem:$0x1F80], $0xf;
	_ =	sdelay $0x4  }
0x122: {  	v3 =	vshll.u32 v2, $0x6  }
0x123: {  	v2 =	vand.u32 $0x7, v2;
	v3 =	vand.u32 $0xFFFFFE00, v3  }
0x124: {  	v2 =	vor.u32 v2, v3  }
0x125: {  	v2 =	vperm.xlane v2, v0;
	_ =	sdelay $0x1  }
0x126: {  	v2 =	vadd.s32 v1, v2;
	_ =	sdelay $0x3  }
0x127: {  	s2 =	simm.s32 $0x2000;
	s0 =	rddreg [dreg:$0x0]  }
0x128: {  	[tilespmem:s2], [sflag:$0x1] =	stream.indirect_vreg.gather [hbm4b:s0+s4], $0x80, v2, vm0, $0xb8;
	[tilespmem:$0x1A000] =	vst v63  }
0x129: {  	s22 =	simm.s32 $0x2800  }
0x12a: {  	[tilespmem:s22], [sflag:$0x1] =	stream.indirect_vreg.gather [hbm4b:s6+s4], $0x80, v2, vm0, $0xb8;
	[tilespmem:$0x1A000] =	vst v63  }
0x12b: {  	s24 =	simm.s32 $0x3000  }
0x12c: {  	[tilespmem:s24], [sflag:$0x1] =	stream.indirect_vreg.gather [hbm4b:s7+s4], $0x80, v2, vm0, $0xb8;
	[tilespmem:$0x1A000] =	vst v63  }
0x12d: {  	s26 =	simm.s32 $0x3800  }
0x12e: {  	[tilespmem:s26], [sflag:$0x1] =	stream.indirect_vreg.gather [hbm4b:s8+s4], $0x80, v2, vm0, $0xb8;
	[tilespmem:$0x1A000] =	vst v63  }
0x12f: {  	s31 =	simm.s32 $0x4000  }
0x130: {  	[tilespmem:s31], [sflag:$0x1] =	stream.indirect_vreg.gather [hbm4b:s9+s4], $0x80, v2, vm0, $0xb8;
	[tilespmem:$0x1A000] =	vst v63  }
0x131: {  	s1 =	simm.s32 $0x4800  }
0x132: {  	[tilespmem:s1], [sflag:$0x1] =	stream.indirect_vreg.gather [hbm4b:s10+s4], $0x80, v2, vm0, $0xb8;
	[tilespmem:$0x1A000] =	vst v63  }
0x133: {  	s3 =	simm.s32 $0x5000  }
0x134: {  	[tilespmem:s3], [sflag:$0x1] =	stream.indirect_vreg.gather [hbm4b:s11+s4], $0x80, v2, vm0, $0xb8;
	[tilespmem:$0x1A000] =	vst v63  }
0x135: {  	s22 =	simm.s32 $0x5800  }
0x136: {  	[tilespmem:s22], [sflag:$0x1] =	stream.indirect_vreg.gather [hbm4b:s12+s4], $0x80, v2, vm0, $0xb8;
	[tilespmem:$0x1A000] =	vst v63  }
0x137: {  	s24 =	simm.s32 $0x6000  }
0x138: {  	[tilespmem:s24], [sflag:$0x1] =	stream.indirect_vreg.gather [hbm4b:s13+s4], $0x80, v2, vm0, $0xb8;
	[tilespmem:$0x1A000] =	vst v63  }
0x139: {  	s26 =	simm.s32 $0x6800  }
0x13a: {  	[tilespmem:s26], [sflag:$0x1] =	stream.indirect_vreg.gather [hbm4b:s14+s4], $0x80, v2, vm0, $0xb8;
	[tilespmem:$0x1A000] =	vst v63  }
0x13b: {  	s31 =	simm.s32 $0x7000  }
0x13c: {  	[tilespmem:s31], [sflag:$0x1] =	stream.indirect_vreg.gather [hbm4b:s15+s4], $0x80, v2, vm0, $0xb8;
	[tilespmem:$0x1A000] =	vst v63  }
0x13d: {  	s1 =	simm.s32 $0x7800  }
0x13e: {  	[tilespmem:s1], [sflag:$0x1] =	stream.indirect_vreg.gather [hbm4b:s16+s4], $0x80, v2, vm0, $0xb8;
	[tilespmem:$0x1A000] =	vst v63  }
0x13f: {  	s3 =	simm.s32 $0x8000  }
0x140: {  	[tilespmem:s3], [sflag:$0x1] =	stream.indirect_vreg.gather [hbm4b:s17+s4], $0x80, v2, vm0, $0xb8;
	[tilespmem:$0x1A000] =	vst v63  }
0x141: {  	s22 =	simm.s32 $0x8800  }
0x142: {  	[tilespmem:s22], [sflag:$0x1] =	stream.indirect_vreg.gather [hbm4b:s18+s4], $0x80, v2, vm0, $0xb8;
	[tilespmem:$0x1A000] =	vst v63  }
0x143: {  	s24 =	simm.s32 $0x9000  }
0x144: {  	[tilespmem:s24], [sflag:$0x1] =	stream.indirect_vreg.gather [hbm4b:s19+s4], $0x80, v2, vm0, $0xb8;
	[tilespmem:$0x1A000] =	vst v63  }
0x145: {  	s26 =	simm.s32 $0x9800  }
0x146: {  	[tilespmem:s26], [sflag:$0x1] =	stream.indirect_vreg.gather [hbm4b:s20+s4], $0x80, v2, vm0, $0xb8;
	[tilespmem:$0x1A000] =	vst v63  }
0x147: {  	_ =	swait.ge [sflag:s5], $0x8000  }
0x148: {  	s1 =	simm.s32 $0x3;
	s3 =	simm.s32 $0x200;
	[sflag:s5] =	ssyncset.done $0x0  }
0x149: {  	s24 =	simm.s32 $0x400;
	s31 =	rddreg [dreg:$0x7];
	[sflag:s5] =	ssyncadd.s32 $0xFFFF8000  }
0x14a: {  	[hbm4b:s31+s3] =	stream.strided.scatter [tilespmem:s30], [sflag:$0x5], $0x8000, s24, s3, $0x38;
	[tilespmem:$0x1A000] =	vst v63  }
0x14b: {  	_ =	swait.ge [sflag:s1], $0x8000  }
0x14c: {  	[sflag:s1] =	ssyncset.done $0x0  }
0x14d: {  	s26 =	simm.s32 $0x1;
	s22 =	rddreg [dreg:$0x8];
	[sflag:s1] =	ssyncadd.s32 $0xFFFF8000  }
0x14e: {  	[hbm4b:s22+s3] =	stream.strided.scatter [tilespmem:s21], [sflag:$0x6], $0x8000, s24, s3, $0x38;
	[tilespmem:$0x1A000] =	vst v63  }
0x14f: {  	_ =	swait.ge [sflag:s26], $0x8000  }
0x150: {  	[sflag:s26] =	ssyncset.done $0x0  }
0x151: {  	s31 =	rddreg [dreg:$0x9];
	[sflag:s26] =	ssyncadd.s32 $0xFFFF8000  }
0x152: {  	[hbm4b:s31+s3] =	stream.strided.scatter [tilespmem:s2], [sflag:$0x4], $0x8000, s24, s3, $0x38;
	[tilespmem:$0x1A000] =	vst v63  }
0x153: {  	s3 =	simm.s32 $0x5  }
0x154: {  	_ =	swait.ge [sflag:s3], $0x8000  }
0x155: {  	[sflag:s3] =	ssyncset.done $0x0  }
0x156: {  	s24 =	simm.s32 $0x6;
	[sflag:s3] =	ssyncadd.s32 $0xFFFF8000  }
0x157: {  	_ =	swait.ge [sflag:s24], $0x8000  }
0x158: {  	[sflag:s24] =	ssyncset.done $0x0  }
0x159: {  	[sflag:s24] =	ssyncadd.s32 $0xFFFF8000  }
0x15a: {  	_ =	swait.ge [sflag:s25], $0x8000  }
0x15b: {  	s26 =	rddreg [dreg:$0xb]  }
0x15c: {  	s31 =	rddreg [dreg:$0xa];
	s2 =	sadd.s32 $0x1, s26  }
0x15d: {  	p0 =	sne.s32 s2, s31  }
.Ltmp1:
0x15e: {  	_ = 	snop;
	(pc) =	sbr.rel @p0 .LBB2_1-.Ltmp1, $4  }
0x15f: {  	s28 =	simm.s32 $0xC800  }
0x160: {  	s29 =	simm.s32 $0xD000;
	s1 =	simm.s32 $0x200;
	s22 =	simm.s32 $0x400  }
0x161: {  	s3 =	simm.s32 $0xA800;
	s24 =	simm.s32 $0xB000;
	[sflag:s25] =	ssyncset.done $0x0  }
0x162: {  	[sflag:s25] =	ssyncadd.s32 $0xFFFF8000;
	s25 =	simm.s32 $0xB800;
	s26 =	simm.s32 $0xC000  }
0x163: {  	_ =	sfence.sel $0x180000  }
0x164: {  	[bflag:$0x0] =	sbarrier.arrive $0xFFFF  }
0x165: {  	_ =	strace $0x90000047  }
0x166: {  	s0 =	stileid.u32;
	[bflag:$0x2] =	sbarrier.arrive $0xFFFF  }
0x167: {  	p0 =	sne.s32 s0, $0x0;
	s0 =	rddreg [dreg:$0x3]  }
0x168: {  	s0 =	sadd.s32 @!p0 $0x100000, s0  }
0x169: {  	[sflag:s0] =	ssyncadd.tile.s32 @!p0 $0x1;
	_ =	shalt  }
.Lfunc_end2:
_tile_overlayer_lowered:
.L_overlay_start_2:
0x16a: {  	(tag) =	ssettag $0x2  }
0x16b: {  	s0 =	rddreg [dreg:$0x0];
	s2 =	stileid.u32  }
0x16c: {  	s1 =	rddreg [dreg:$0x1];
	p0 =	sne.s32 s2, $0x0  }
0x16d: {  	s3 =	rddreg [dreg:$0x2];
	[bflag:$0x3] =	sbarrier.arrive $0xFFFF;
	s2 =	simm.s32 @!p0 $0x1C07  }
0x16e: {  	[timem:s3], [sflag:s2] =	dma.local @!p0 [hbm:s0], s1  }
0x16f: {  	s0 =	simm.s32 @!p0 $0x7  }
0x170: {  	_ =	swait.ge @!p0 [sflag:s0], s1  }
0x171: {  	s1 =	ssub.s32 @!p0 $0x0, s1;
	[sflag:s0] =	ssyncset.done @!p0 $0x0  }
0x172: {  	[sflag:s0] =	ssyncadd.s32 @!p0 s1  }
0x173: {  	[bflag:$0x3] =	sbarrier.arrive $0xFFFF  }
0x174: {  	_ =	shalt  }

</sc_bundles>
